<compile_context>
chip_gen: v7x
topology: tpu7x:2x2x1
jax: 0.10.2.dev20260603
libtpu: 0.0.44.dev20260713+nightly
codegen_flags: <defaults>
</compile_context>

<pallas_src>
import functools

import jax
import jax.numpy as jnp
from jax import lax
from jax.experimental import pallas as pl
from jax.experimental.pallas import tpu as pltpu
from jax.experimental.pallas import tpu_sc as plsc

_L = 16
_Q = 4096


def _gather_kernel(B, C, N, M):
    NW = 32
    pairs_per_w = (B * C) // NW
    n_q = M // _Q
    _UNROLL = 8
    mesh = plsc.VectorSubcoreMesh(core_axis_name="c", subcore_axis_name="s")

    @functools.partial(
        pl.kernel,
        mesh=mesh,
        compiler_params=pltpu.CompilerParams(needs_layout_passes=False),
        out_type=jax.ShapeDtypeStruct((B * C, M), jnp.float32),
        scratch_types=[
            pltpu.VMEM((M,), jnp.int32),
            pltpu.VMEM((N,), jnp.float32),
            pltpu.VMEM((N,), jnp.float32),
            pltpu.VMEM((_Q,), jnp.float32),
            pltpu.VMEM((_Q,), jnp.float32),
            pltpu.SemaphoreType.DMA,
            pltpu.SemaphoreType.DMA,
            pltpu.SemaphoreType.DMA,
        ],
    )
    def k(feat_hbm, idx_hbm, out_hbm, idx_v, frow_a, frow_b, gath_a, gath_b,
          sem_a, sem_b, sem_o):
        wid = lax.axis_index("s") * 2 + lax.axis_index("c")
        b = wid // (NW // B)
        row0 = wid * pairs_per_w
        pltpu.sync_copy(idx_hbm.at[b], idx_v)
        pltpu.async_copy(feat_hbm.at[row0], frow_a, sem_a)

        def process(frow, bc):
            for q in range(n_q):
                gath = gath_a if q % 2 == 0 else gath_b
                if q >= 2:
                    pltpu.make_async_copy(
                        gath, out_hbm.at[bc, pl.ds((q - 2) * _Q, _Q)],
                        sem_o).wait()

                def g(t, _, q=q, gath=gath):
                    for u in range(_UNROLL):
                        off = (t * _UNROLL + u) * _L
                        iv = idx_v[pl.ds(q * _Q + off, _L)]
                        gath[pl.ds(off, _L)] = plsc.load_gather(frow, [iv])
                    return 0

                lax.fori_loop(0, _Q // (_L * _UNROLL), g, 0)
                pltpu.async_copy(gath, out_hbm.at[bc, pl.ds(q * _Q, _Q)], sem_o)
            for q in (n_q - 2, n_q - 1):
                gath = gath_a if q % 2 == 0 else gath_b
                pltpu.make_async_copy(
                    gath, out_hbm.at[bc, pl.ds(q * _Q, _Q)], sem_o).wait()

        def body(k2, _):
            bc0 = row0 + 2 * k2
            pltpu.async_copy(feat_hbm.at[bc0 + 1], frow_b, sem_b)
            pltpu.make_async_copy(feat_hbm.at[bc0], frow_a, sem_a).wait()
            process(frow_a, bc0)

            @pl.when(k2 < pairs_per_w // 2 - 1)
            def _():
                pltpu.async_copy(feat_hbm.at[bc0 + 2], frow_a, sem_a)

            pltpu.make_async_copy(feat_hbm.at[bc0 + 1], frow_b, sem_b).wait()
            process(frow_b, bc0 + 1)
            return 0

        lax.fori_loop(0, pairs_per_w // 2, body, 0)

    return k


def kernel(features, idx):
    B, C, N = features.shape
    M = idx.shape[1]
    feat2 = features.reshape(B * C, N)
    idx2 = idx.astype(jnp.int32)
    out = _gather_kernel(B, C, N, M)(feat2, idx2)
    return out.reshape(B, C, M)

# --- scband reference (transcript-rebuilt; emitter-appended) ---
"""Pipeline reference for scband-gather-operation-3315714753179 (READ-ONLY COPY).

The authoritative reference and input builder live on the scoring server;
editing this copy changes nothing except your own understanding.
"""

import jax, jax.numpy as jnp
import numpy as np

B, C, N, M = 8, 64, 50000, 16384

def setup_inputs(seed: int = 0) -> dict:
    key = jax.random.key(seed)
    k1, k2 = jax.random.split(key)
    features = jax.random.normal(k1, (B, C, N), dtype=jnp.float32)
    idx = jax.random.randint(k2, (B, M), 0, N, dtype=jnp.int64)
    return {"features": features, "idx": idx}

def reference(features, idx):
    # gather_points path: idx has ndim == 2
    # out[b, c, j] = features[b, c, idx[b, j]]
    Bv, Cv, Nv = features.shape
    Mv = idx.shape[1]
    idx_expanded = jnp.broadcast_to(idx[:, None, :], (Bv, Cv, Mv))
    out = jnp.take_along_axis(features, idx_expanded, axis=2)
    return out

if __name__ == "__main__":
    import jax
    _d = setup_inputs()
    print(jax.jit(kernel)(*tuple(_d.values())))

</pallas_src>

<mosaic_0001>
#map = affine_map<(d0, d1) -> (0, 0)>
module attributes {stable_mosaic.version = 14 : i64} {
  func.func @k(%arg0: i32, %arg1: i32, %arg2: memref<512x50000xf32, #tpu.memory_space<hbm>>, %arg3: memref<8x16384xi32, #tpu.memory_space<hbm>>, %arg4: memref<512x16384xf32, #tpu.memory_space<hbm>>, %arg5: memref<16384xi32, #tpu.memory_space<vmem>>, %arg6: memref<50000xf32, #tpu.memory_space<vmem>>, %arg7: memref<50000xf32, #tpu.memory_space<vmem>>, %arg8: memref<4096xf32, #tpu.memory_space<vmem>>, %arg9: memref<4096xf32, #tpu.memory_space<vmem>>, %arg10: memref<!tpu.dma_semaphore, #tpu.memory_space<semaphore_mem>>, %arg11: memref<!tpu.dma_semaphore, #tpu.memory_space<semaphore_mem>>, %arg12: memref<!tpu.dma_semaphore, #tpu.memory_space<semaphore_mem>>) attributes {dimension_semantics = [#tpu.dimension_semantics<core_parallel>, #tpu.dimension_semantics<subcore_parallel>], iteration_bounds = array<i64: 2, 16>, scalar_prefetch = 0 : i64, scratch_operands = 8 : i64, tpu.core_type = #tpu.core_type<sc_vector_subcore>, window_params = [{transform_indices = #map}, {transform_indices = #map}, {transform_indices = #map}]} {
    %mul3A = arith.constant 2 : i32
    %mul3A_0 = arith.muli %arg1, %mul3A : i32
    %add3A = arith.addi %mul3A_0, %arg0 : i32
    %jit3A = arith.constant 4 : i32
    %div3A = arith.divsi %add3A, %jit3A : i32
    %sign3A = arith.constant 0 : i32
    %sign3A_1 = arith.cmpi sgt, %add3A, %sign3A : i32
    %sign3A_2 = arith.extui %sign3A_1 : i1 to i32
    %sign3A_3 = arith.constant 0 : i32
    %sign3A_4 = arith.cmpi slt, %add3A, %sign3A_3 : i32
    %sign3A_5 = arith.extui %sign3A_4 : i1 to i32
    %sign3A_6 = arith.subi %sign3A_2, %sign3A_5 : i32
    %sign3A_7 = arith.constant 0 : i32
    %sign3A_8 = arith.cmpi sgt, %jit3A, %sign3A_7 : i32
    %sign3A_9 = arith.extui %sign3A_8 : i1 to i32
    %sign3A_10 = arith.constant 0 : i32
    %sign3A_11 = arith.cmpi slt, %jit3A, %sign3A_10 : i32
    %sign3A_12 = arith.extui %sign3A_11 : i1 to i32
    %sign3A_13 = arith.subi %sign3A_9, %sign3A_12 : i32
    %ne3A = arith.cmpi ne, %sign3A_6, %sign3A_13 : i32
    %rem3A = arith.remsi %add3A, %jit3A : i32
    %ne3A_14 = arith.constant 0 : i32
    %ne3A_15 = arith.cmpi ne, %rem3A, %ne3A_14 : i32
    %and3A = arith.andi %ne3A, %ne3A_15 : i1
    %sub3A = arith.constant 1 : i32
    %sub3A_16 = arith.subi %div3A, %sub3A : i32
    %select_n3A = arith.select %and3A, %sub3A_16, %div3A : i32
    %mul3A_17 = arith.constant 16 : i32
    %mul3A_18 = arith.muli %add3A, %mul3A_17 : i32
    "tpu.region"() ({
      %run_scoped3A = tpu.sem_alloc : memref<!tpu.dma_semaphore, #tpu.memory_space<semaphore_mem>>
      %dma_start3A_30 = arith.constant 0 : i32
      %dma_start3A_31 = tpu.memref_slice %arg3[%select_n3A, %dma_start3A_30] : memref<8x16384xi32, #tpu.memory_space<hbm>> -> memref<1x16384xi32, #tpu.memory_space<hbm>>
      %dma_start3A_32 = tpu.memref_squeeze %dma_start3A_31 : memref<1x16384xi32, #tpu.memory_space<hbm>> -> memref<16384xi32, #tpu.memory_space<hbm>>
      %dma_start3A_33 = arith.constant 0 : i32
      %dma_start3A_34 = tpu.memref_slice %arg3[%select_n3A, %dma_start3A_33] : memref<8x16384xi32, #tpu.memory_space<hbm>> -> memref<1x16384xi32, #tpu.memory_space<hbm>>
      %dma_start3A_35 = tpu.memref_squeeze %dma_start3A_34 : memref<1x16384xi32, #tpu.memory_space<hbm>> -> memref<16384xi32, #tpu.memory_space<hbm>>
      tpu.enqueue_dma source(%dma_start3A_35 : memref<16384xi32, #tpu.memory_space<hbm>>) target(%arg5 : memref<16384xi32, #tpu.memory_space<vmem>>) target_semaphore(%run_scoped3A : memref<!tpu.dma_semaphore, #tpu.memory_space<semaphore_mem>>)
      %dma_wait3A = arith.constant 0 : i32
      %dma_wait3A_36 = tpu.memref_slice %arg3[%select_n3A, %dma_wait3A] : memref<8x16384xi32, #tpu.memory_space<hbm>> -> memref<1x16384xi32, #tpu.memory_space<hbm>>
      %dma_wait3A_37 = tpu.memref_squeeze %dma_wait3A_36 : memref<1x16384xi32, #tpu.memory_space<hbm>> -> memref<16384xi32, #tpu.memory_space<hbm>>
      %dma_wait3A_38 = arith.constant 0 : i32
      %dma_wait3A_39 = tpu.memref_slice %arg3[%select_n3A, %dma_wait3A_38] : memref<8x16384xi32, #tpu.memory_space<hbm>> -> memref<1x16384xi32, #tpu.memory_space<hbm>>
      %dma_wait3A_40 = tpu.memref_squeeze %dma_wait3A_39 : memref<1x16384xi32, #tpu.memory_space<hbm>> -> memref<16384xi32, #tpu.memory_space<hbm>>
      tpu.wait_dma2 semaphore(%run_scoped3A : memref<!tpu.dma_semaphore, #tpu.memory_space<semaphore_mem>>) src(%dma_wait3A_40 : memref<16384xi32, #tpu.memory_space<hbm>>) dst(%arg5 : memref<16384xi32, #tpu.memory_space<vmem>>)
      tpu.yield
    }) : () -> ()
    %dma_start3A = arith.constant 0 : i32
    %dma_start3A_19 = tpu.memref_slice %arg2[%mul3A_18, %dma_start3A] : memref<512x50000xf32, #tpu.memory_space<hbm>> -> memref<1x50000xf32, #tpu.memory_space<hbm>>
    %dma_start3A_20 = tpu.memref_squeeze %dma_start3A_19 : memref<1x50000xf32, #tpu.memory_space<hbm>> -> memref<50000xf32, #tpu.memory_space<hbm>>
    %dma_start3A_21 = arith.constant 0 : i32
    %dma_start3A_22 = tpu.memref_slice %arg2[%mul3A_18, %dma_start3A_21] : memref<512x50000xf32, #tpu.memory_space<hbm>> -> memref<1x50000xf32, #tpu.memory_space<hbm>>
    %dma_start3A_23 = tpu.memref_squeeze %dma_start3A_22 : memref<1x50000xf32, #tpu.memory_space<hbm>> -> memref<50000xf32, #tpu.memory_space<hbm>>
    tpu.enqueue_dma source(%dma_start3A_23 : memref<50000xf32, #tpu.memory_space<hbm>>) target(%arg6 : memref<50000xf32, #tpu.memory_space<vmem>>) target_semaphore(%arg10 : memref<!tpu.dma_semaphore, #tpu.memory_space<semaphore_mem>>)
    %scan3A = arith.constant 0 : i32
    %scan3A_24 = arith.constant 0 : i32
    %scan3A_25 = arith.constant 8 : i32
    %scan3A_26 = arith.addi %scan3A_24, %scan3A_25 : i32
    %scan3A_27 = arith.constant 1 : i32
    %scan3A_28 = scf.for %scan3A_30 = %scan3A_24 to %scan3A_26 step %scan3A_27 iter_args(%scan3A_31 = %scan3A) -> (i32)  : i32 {
      %mul3A_32 = arith.constant 2 : i32
      %mul3A_33 = arith.muli %mul3A_32, %scan3A_30 : i32
      %add3A_34 = arith.addi %mul3A_18, %mul3A_33 : i32
      %add3A_35 = arith.constant 1 : i32
      %add3A_36 = arith.addi %add3A_34, %add3A_35 : i32
      %dma_start3A_37 = arith.constant 0 : i32
      %dma_start3A_38 = tpu.memref_slice %arg2[%add3A_36, %dma_start3A_37] : memref<512x50000xf32, #tpu.memory_space<hbm>> -> memref<1x50000xf32, #tpu.memory_space<hbm>>
      %dma_start3A_39 = tpu.memref_squeeze %dma_start3A_38 : memref<1x50000xf32, #tpu.memory_space<hbm>> -> memref<50000xf32, #tpu.memory_space<hbm>>
      %dma_start3A_40 = arith.constant 0 : i32
      %dma_start3A_41 = tpu.memref_slice %arg2[%add3A_36, %dma_start3A_40] : memref<512x50000xf32, #tpu.memory_space<hbm>> -> memref<1x50000xf32, #tpu.memory_space<hbm>>
      %dma_start3A_42 = tpu.memref_squeeze %dma_start3A_41 : memref<1x50000xf32, #tpu.memory_space<hbm>> -> memref<50000xf32, #tpu.memory_space<hbm>>
      tpu.enqueue_dma source(%dma_start3A_42 : memref<50000xf32, #tpu.memory_space<hbm>>) target(%arg7 : memref<50000xf32, #tpu.memory_space<vmem>>) target_semaphore(%arg11 : memref<!tpu.dma_semaphore, #tpu.memory_space<semaphore_mem>>)
      %dma_wait3A = arith.constant 0 : i32
      %dma_wait3A_43 = tpu.memref_slice %arg2[%add3A_34, %dma_wait3A] : memref<512x50000xf32, #tpu.memory_space<hbm>> -> memref<1x50000xf32, #tpu.memory_space<hbm>>
      %dma_wait3A_44 = tpu.memref_squeeze %dma_wait3A_43 : memref<1x50000xf32, #tpu.memory_space<hbm>> -> memref<50000xf32, #tpu.memory_space<hbm>>
      %dma_wait3A_45 = arith.constant 0 : i32
      %dma_wait3A_46 = tpu.memref_slice %arg2[%add3A_34, %dma_wait3A_45] : memref<512x50000xf32, #tpu.memory_space<hbm>> -> memref<1x50000xf32, #tpu.memory_space<hbm>>
      %dma_wait3A_47 = tpu.memref_squeeze %dma_wait3A_46 : memref<1x50000xf32, #tpu.memory_space<hbm>> -> memref<50000xf32, #tpu.memory_space<hbm>>
      tpu.wait_dma2 semaphore(%arg10 : memref<!tpu.dma_semaphore, #tpu.memory_space<semaphore_mem>>) src(%dma_wait3A_47 : memref<50000xf32, #tpu.memory_space<hbm>>) dst(%arg6 : memref<50000xf32, #tpu.memory_space<vmem>>)
      %scan3A_48 = arith.constant 0 : i32
      %scan3A_49 = arith.constant 0 : i32
      %scan3A_50 = arith.constant 32 : i32
      %scan3A_51 = arith.addi %scan3A_49, %scan3A_50 : i32
      %scan3A_52 = arith.constant 1 : i32
      %scan3A_53 = scf.for %scan3A_213 = %scan3A_49 to %scan3A_51 step %scan3A_52 iter_args(%scan3A_214 = %scan3A_48) -> (i32)  : i32 {
        %mul3A_215 = arith.constant 8 : i32
        %mul3A_216 = arith.muli %scan3A_213, %mul3A_215 : i32
        %add3A_217 = arith.constant 0 : i32
        %add3A_218 = arith.addi %mul3A_216, %add3A_217 : i32
        %mul3A_219 = arith.constant 16 : i32
        %mul3A_220 = arith.muli %add3A_218, %mul3A_219 : i32
        %add3A_221 = arith.constant 0 : i32
        %add3A_222 = arith.addi %add3A_221, %mul3A_220 : i32
        %get3A = arith.index_cast %add3A_222 : i32 to index
        %get3A_223 = tpu.vector_load %arg5[%get3A] {strides = array<i32>} : memref<16384xi32, #tpu.memory_space<vmem>>, vector<16xi32>,
        %gather3A = tpu.vector_load_idx %arg6[%get3A_223] : memref<50000xf32, #tpu.memory_space<vmem>>[vector<16xi32>], vector<16xf32>,
        %swap3A = arith.index_cast %mul3A_220 : i32 to index
        %swap3A_224 = tpu.vector_load %arg8[%swap3A] {strides = array<i32>} : memref<4096xf32, #tpu.memory_space<vmem>>, vector<16xf32>,
        tpu.vector_store %arg8[%swap3A], %gather3A {strides = array<i32>} : memref<4096xf32, #tpu.memory_space<vmem>>, vector<16xf32>,
        %mul3A_225 = arith.constant 8 : i32
        %mul3A_226 = arith.muli %scan3A_213, %mul3A_225 : i32
        %add3A_227 = arith.constant 1 : i32
        %add3A_228 = arith.addi %mul3A_226, %add3A_227 : i32
        %mul3A_229 = arith.constant 16 : i32
        %mul3A_230 = arith.muli %add3A_228, %mul3A_229 : i32
        %add3A_231 = arith.constant 0 : i32
        %add3A_232 = arith.addi %add3A_231, %mul3A_230 : i32
        %get3A_233 = arith.index_cast %add3A_232 : i32 to index
        %get3A_234 = tpu.vector_load %arg5[%get3A_233] {strides = array<i32>} : memref<16384xi32, #tpu.memory_space<vmem>>, vector<16xi32>,
        %gather3A_235 = tpu.vector_load_idx %arg6[%get3A_234] : memref<50000xf32, #tpu.memory_space<vmem>>[vector<16xi32>], vector<16xf32>,
        %swap3A_236 = arith.index_cast %mul3A_230 : i32 to index
        %swap3A_237 = tpu.vector_load %arg8[%swap3A_236] {strides = array<i32>} : memref<4096xf32, #tpu.memory_space<vmem>>, vector<16xf32>,
        tpu.vector_store %arg8[%swap3A_236], %gather3A_235 {strides = array<i32>} : memref<4096xf32, #tpu.memory_space<vmem>>, vector<16xf32>,
        %mul3A_238 = arith.constant 8 : i32
        %mul3A_239 = arith.muli %scan3A_213, %mul3A_238 : i32
        %add3A_240 = arith.constant 2 : i32
        %add3A_241 = arith.addi %mul3A_239, %add3A_240 : i32
        %mul3A_242 = arith.constant 16 : i32
        %mul3A_243 = arith.muli %add3A_241, %mul3A_242 : i32
        %add3A_244 = arith.constant 0 : i32
        %add3A_245 = arith.addi %add3A_244, %mul3A_243 : i32
        %get3A_246 = arith.index_cast %add3A_245 : i32 to index
        %get3A_247 = tpu.vector_load %arg5[%get3A_246] {strides = array<i32>} : memref<16384xi32, #tpu.memory_space<vmem>>, vector<16xi32>,
        %gather3A_248 = tpu.vector_load_idx %arg6[%get3A_247] : memref<50000xf32, #tpu.memory_space<vmem>>[vector<16xi32>], vector<16xf32>,
        %swap3A_249 = arith.index_cast %mul3A_243 : i32 to index
        %swap3A_250 = tpu.vector_load %arg8[%swap3A_249] {strides = array<i32>} : memref<4096xf32, #tpu.memory_space<vmem>>, vector<16xf32>,
        tpu.vector_store %arg8[%swap3A_249], %gather3A_248 {strides = array<i32>} : memref<4096xf32, #tpu.memory_space<vmem>>, vector<16xf32>,
        %mul3A_251 = arith.constant 8 : i32
        %mul3A_252 = arith.muli %scan3A_213, %mul3A_251 : i32
        %add3A_253 = arith.constant 3 : i32
        %add3A_254 = arith.addi %mul3A_252, %add3A_253 : i32
        %mul3A_255 = arith.constant 16 : i32
        %mul3A_256 = arith.muli %add3A_254, %mul3A_255 : i32
        %add3A_257 = arith.constant 0 : i32
        %add3A_258 = arith.addi %add3A_257, %mul3A_256 : i32
        %get3A_259 = arith.index_cast %add3A_258 : i32 to index
        %get3A_260 = tpu.vector_load %arg5[%get3A_259] {strides = array<i32>} : memref<16384xi32, #tpu.memory_space<vmem>>, vector<16xi32>,
        %gather3A_261 = tpu.vector_load_idx %arg6[%get3A_260] : memref<50000xf32, #tpu.memory_space<vmem>>[vector<16xi32>], vector<16xf32>,
        %swap3A_262 = arith.index_cast %mul3A_256 : i32 to index
        %swap3A_263 = tpu.vector_load %arg8[%swap3A_262] {strides = array<i32>} : memref<4096xf32, #tpu.memory_space<vmem>>, vector<16xf32>,
        tpu.vector_store %arg8[%swap3A_262], %gather3A_261 {strides = array<i32>} : memref<4096xf32, #tpu.memory_space<vmem>>, vector<16xf32>,
        %mul3A_264 = arith.constant 8 : i32
        %mul3A_265 = arith.muli %scan3A_213, %mul3A_264 : i32
        %add3A_266 = arith.constant 4 : i32
        %add3A_267 = arith.addi %mul3A_265, %add3A_266 : i32
        %mul3A_268 = arith.constant 16 : i32
        %mul3A_269 = arith.muli %add3A_267, %mul3A_268 : i32
        %add3A_270 = arith.constant 0 : i32
        %add3A_271 = arith.addi %add3A_270, %mul3A_269 : i32
        %get3A_272 = arith.index_cast %add3A_271 : i32 to index
        %get3A_273 = tpu.vector_load %arg5[%get3A_272] {strides = array<i32>} : memref<16384xi32, #tpu.memory_space<vmem>>, vector<16xi32>,
        %gather3A_274 = tpu.vector_load_idx %arg6[%get3A_273] : memref<50000xf32, #tpu.memory_space<vmem>>[vector<16xi32>], vector<16xf32>,
        %swap3A_275 = arith.index_cast %mul3A_269 : i32 to index
        %swap3A_276 = tpu.vector_load %arg8[%swap3A_275] {strides = array<i32>} : memref<4096xf32, #tpu.memory_space<vmem>>, vector<16xf32>,
        tpu.vector_store %arg8[%swap3A_275], %gather3A_274 {strides = array<i32>} : memref<4096xf32, #tpu.memory_space<vmem>>, vector<16xf32>,
        %mul3A_277 = arith.constant 8 : i32
        %mul3A_278 = arith.muli %scan3A_213, %mul3A_277 : i32
        %add3A_279 = arith.constant 5 : i32
        %add3A_280 = arith.addi %mul3A_278, %add3A_279 : i32
        %mul3A_281 = arith.constant 16 : i32
        %mul3A_282 = arith.muli %add3A_280, %mul3A_281 : i32
        %add3A_283 = arith.constant 0 : i32
        %add3A_284 = arith.addi %add3A_283, %mul3A_282 : i32
        %get3A_285 = arith.index_cast %add3A_284 : i32 to index
        %get3A_286 = tpu.vector_load %arg5[%get3A_285] {strides = array<i32>} : memref<16384xi32, #tpu.memory_space<vmem>>, vector<16xi32>,
        %gather3A_287 = tpu.vector_load_idx %arg6[%get3A_286] : memref<50000xf32, #tpu.memory_space<vmem>>[vector<16xi32>], vector<16xf32>,
        %swap3A_288 = arith.index_cast %mul3A_282 : i32 to index
        %swap3A_289 = tpu.vector_load %arg8[%swap3A_288] {strides = array<i32>} : memref<4096xf32, #tpu.memory_space<vmem>>, vector<16xf32>,
        tpu.vector_store %arg8[%swap3A_288], %gather3A_287 {strides = array<i32>} : memref<4096xf32, #tpu.memory_space<vmem>>, vector<16xf32>,
        %mul3A_290 = arith.constant 8 : i32
        %mul3A_291 = arith.muli %scan3A_213, %mul3A_290 : i32
        %add3A_292 = arith.constant 6 : i32
        %add3A_293 = arith.addi %mul3A_291, %add3A_292 : i32
        %mul3A_294 = arith.constant 16 : i32
        %mul3A_295 = arith.muli %add3A_293, %mul3A_294 : i32
        %add3A_296 = arith.constant 0 : i32
        %add3A_297 = arith.addi %add3A_296, %mul3A_295 : i32
        %get3A_298 = arith.index_cast %add3A_297 : i32 to index
        %get3A_299 = tpu.vector_load %arg5[%get3A_298] {strides = array<i32>} : memref<16384xi32, #tpu.memory_space<vmem>>, vector<16xi32>,
        %gather3A_300 = tpu.vector_load_idx %arg6[%get3A_299] : memref<50000xf32, #tpu.memory_space<vmem>>[vector<16xi32>], vector<16xf32>,
        %swap3A_301 = arith.index_cast %mul3A_295 : i32 to index
        %swap3A_302 = tpu.vector_load %arg8[%swap3A_301] {strides = array<i32>} : memref<4096xf32, #tpu.memory_space<vmem>>, vector<16xf32>,
        tpu.vector_store %arg8[%swap3A_301], %gather3A_300 {strides = array<i32>} : memref<4096xf32, #tpu.memory_space<vmem>>, vector<16xf32>,
        %mul3A_303 = arith.constant 8 : i32
        %mul3A_304 = arith.muli %scan3A_213, %mul3A_303 : i32
        %add3A_305 = arith.constant 7 : i32
        %add3A_306 = arith.addi %mul3A_304, %add3A_305 : i32
        %mul3A_307 = arith.constant 16 : i32
        %mul3A_308 = arith.muli %add3A_306, %mul3A_307 : i32
        %add3A_309 = arith.constant 0 : i32
        %add3A_310 = arith.addi %add3A_309, %mul3A_308 : i32
        %get3A_311 = arith.index_cast %add3A_310 : i32 to index
        %get3A_312 = tpu.vector_load %arg5[%get3A_311] {strides = array<i32>} : memref<16384xi32, #tpu.memory_space<vmem>>, vector<16xi32>,
        %gather3A_313 = tpu.vector_load_idx %arg6[%get3A_312] : memref<50000xf32, #tpu.memory_space<vmem>>[vector<16xi32>], vector<16xf32>,
        %swap3A_314 = arith.index_cast %mul3A_308 : i32 to index
        %swap3A_315 = tpu.vector_load %arg8[%swap3A_314] {strides = array<i32>} : memref<4096xf32, #tpu.memory_space<vmem>>, vector<16xf32>,
        tpu.vector_store %arg8[%swap3A_314], %gather3A_313 {strides = array<i32>} : memref<4096xf32, #tpu.memory_space<vmem>>, vector<16xf32>,
        %scan3A_316 = arith.constant 0 : i32
        scf.yield %scan3A_316 : i32
      }
      %scan3A_54 = arith.constant 32 : i32
      %dma_start3A_55 = arith.constant 0 : i32
      %dma_start3A_56 = tpu.memref_slice %arg4[%add3A_34, %dma_start3A_55] : memref<512x16384xf32, #tpu.memory_space<hbm>> -> memref<1x4096xf32, #tpu.memory_space<hbm>>
      %dma_start3A_57 = tpu.memref_squeeze %dma_start3A_56 : memref<1x4096xf32, #tpu.memory_space<hbm>> -> memref<4096xf32, #tpu.memory_space<hbm>>
      %dma_start3A_58 = arith.constant 0 : i32
      %dma_start3A_59 = tpu.memref_slice %arg4[%add3A_34, %dma_start3A_58] : memref<512x16384xf32, #tpu.memory_space<hbm>> -> memref<1x4096xf32, #tpu.memory_space<hbm>>
      %dma_start3A_60 = tpu.memref_squeeze %dma_start3A_59 : memref<1x4096xf32, #tpu.memory_space<hbm>> -> memref<4096xf32, #tpu.memory_space<hbm>>
      tpu.enqueue_dma source(%arg8 : memref<4096xf32, #tpu.memory_space<vmem>>) target(%dma_start3A_60 : memref<4096xf32, #tpu.memory_space<hbm>>) target_semaphore(%arg12 : memref<!tpu.dma_semaphore, #tpu.memory_space<semaphore_mem>>)
      %scan3A_61 = arith.constant 0 : i32
      %scan3A_62 = arith.constant 0 : i32
      %scan3A_63 = arith.constant 32 : i32
      %scan3A_64 = arith.addi %scan3A_62, %scan3A_63 : i32
      %scan3A_65 = arith.constant 1 : i32
      %scan3A_66 = scf.for %scan3A_213 = %scan3A_62 to %scan3A_64 step %scan3A_65 iter_args(%scan3A_214 = %scan3A_61) -> (i32)  : i32 {
        %mul3A_215 = arith.constant 8 : i32
        %mul3A_216 = arith.muli %scan3A_213, %mul3A_215 : i32
        %add3A_217 = arith.constant 0 : i32
        %add3A_218 = arith.addi %mul3A_216, %add3A_217 : i32
        %mul3A_219 = arith.constant 16 : i32
        %mul3A_220 = arith.muli %add3A_218, %mul3A_219 : i32
        %add3A_221 = arith.constant 4096 : i32
        %add3A_222 = arith.addi %add3A_221, %mul3A_220 : i32
        %get3A = arith.index_cast %add3A_222 : i32 to index
        %get3A_223 = tpu.vector_load %arg5[%get3A] {strides = array<i32>} : memref<16384xi32, #tpu.memory_space<vmem>>, vector<16xi32>,
        %gather3A = tpu.vector_load_idx %arg6[%get3A_223] : memref<50000xf32, #tpu.memory_space<vmem>>[vector<16xi32>], vector<16xf32>,
        %swap3A = arith.index_cast %mul3A_220 : i32 to index
        %swap3A_224 = tpu.vector_load %arg9[%swap3A] {strides = array<i32>} : memref<4096xf32, #tpu.memory_space<vmem>>, vector<16xf32>,
        tpu.vector_store %arg9[%swap3A], %gather3A {strides = array<i32>} : memref<4096xf32, #tpu.memory_space<vmem>>, vector<16xf32>,
        %mul3A_225 = arith.constant 8 : i32
        %mul3A_226 = arith.muli %scan3A_213, %mul3A_225 : i32
        %add3A_227 = arith.constant 1 : i32
        %add3A_228 = arith.addi %mul3A_226, %add3A_227 : i32
        %mul3A_229 = arith.constant 16 : i32
        %mul3A_230 = arith.muli %add3A_228, %mul3A_229 : i32
        %add3A_231 = arith.constant 4096 : i32
        %add3A_232 = arith.addi %add3A_231, %mul3A_230 : i32
        %get3A_233 = arith.index_cast %add3A_232 : i32 to index
        %get3A_234 = tpu.vector_load %arg5[%get3A_233] {strides = array<i32>} : memref<16384xi32, #tpu.memory_space<vmem>>, vector<16xi32>,
        %gather3A_235 = tpu.vector_load_idx %arg6[%get3A_234] : memref<50000xf32, #tpu.memory_space<vmem>>[vector<16xi32>], vector<16xf32>,
        %swap3A_236 = arith.index_cast %mul3A_230 : i32 to index
        %swap3A_237 = tpu.vector_load %arg9[%swap3A_236] {strides = array<i32>} : memref<4096xf32, #tpu.memory_space<vmem>>, vector<16xf32>,
        tpu.vector_store %arg9[%swap3A_236], %gather3A_235 {strides = array<i32>} : memref<4096xf32, #tpu.memory_space<vmem>>, vector<16xf32>,
        %mul3A_238 = arith.constant 8 : i32
        %mul3A_239 = arith.muli %scan3A_213, %mul3A_238 : i32
        %add3A_240 = arith.constant 2 : i32
        %add3A_241 = arith.addi %mul3A_239, %add3A_240 : i32
        %mul3A_242 = arith.constant 16 : i32
        %mul3A_243 = arith.muli %add3A_241, %mul3A_242 : i32
        %add3A_244 = arith.constant 4096 : i32
        %add3A_245 = arith.addi %add3A_244, %mul3A_243 : i32
        %get3A_246 = arith.index_cast %add3A_245 : i32 to index
        %get3A_247 = tpu.vector_load %arg5[%get3A_246] {strides = array<i32>} : memref<16384xi32, #tpu.memory_space<vmem>>, vector<16xi32>,
        %gather3A_248 = tpu.vector_load_idx %arg6[%get3A_247] : memref<50000xf32, #tpu.memory_space<vmem>>[vector<16xi32>], vector<16xf32>,
        %swap3A_249 = arith.index_cast %mul3A_243 : i32 to index
        %swap3A_250 = tpu.vector_load %arg9[%swap3A_249] {strides = array<i32>} : memref<4096xf32, #tpu.memory_space<vmem>>, vector<16xf32>,
        tpu.vector_store %arg9[%swap3A_249], %gather3A_248 {strides = array<i32>} : memref<4096xf32, #tpu.memory_space<vmem>>, vector<16xf32>,
        %mul3A_251 = arith.constant 8 : i32
        %mul3A_252 = arith.muli %scan3A_213, %mul3A_251 : i32
        %add3A_253 = arith.constant 3 : i32
        %add3A_254 = arith.addi %mul3A_252, %add3A_253 : i32
        %mul3A_255 = arith.constant 16 : i32
        %mul3A_256 = arith.muli %add3A_254, %mul3A_255 : i32
        %add3A_257 = arith.constant 4096 : i32
        %add3A_258 = arith.addi %add3A_257, %mul3A_256 : i32
        %get3A_259 = arith.index_cast %add3A_258 : i32 to index
        %get3A_260 = tpu.vector_load %arg5[%get3A_259] {strides = array<i32>} : memref<16384xi32, #tpu.memory_space<vmem>>, vector<16xi32>,
        %gather3A_261 = tpu.vector_load_idx %arg6[%get3A_260] : memref<50000xf32, #tpu.memory_space<vmem>>[vector<16xi32>], vector<16xf32>,
        %swap3A_262 = arith.index_cast %mul3A_256 : i32 to index
        %swap3A_263 = tpu.vector_load %arg9[%swap3A_262] {strides = array<i32>} : memref<4096xf32, #tpu.memory_space<vmem>>, vector<16xf32>,
        tpu.vector_store %arg9[%swap3A_262], %gather3A_261 {strides = array<i32>} : memref<4096xf32, #tpu.memory_space<vmem>>, vector<16xf32>,
        %mul3A_264 = arith.constant 8 : i32
        %mul3A_265 = arith.muli %scan3A_213, %mul3A_264 : i32
        %add3A_266 = arith.constant 4 : i32
        %add3A_267 = arith.addi %mul3A_265, %add3A_266 : i32
        %mul3A_268 = arith.constant 16 : i32
        %mul3A_269 = arith.muli %add3A_267, %mul3A_268 : i32
        %add3A_270 = arith.constant 4096 : i32
        %add3A_271 = arith.addi %add3A_270, %mul3A_269 : i32
        %get3A_272 = arith.index_cast %add3A_271 : i32 to index
        %get3A_273 = tpu.vector_load %arg5[%get3A_272] {strides = array<i32>} : memref<16384xi32, #tpu.memory_space<vmem>>, vector<16xi32>,
        %gather3A_274 = tpu.vector_load_idx %arg6[%get3A_273] : memref<50000xf32, #tpu.memory_space<vmem>>[vector<16xi32>], vector<16xf32>,
        %swap3A_275 = arith.index_cast %mul3A_269 : i32 to index
        %swap3A_276 = tpu.vector_load %arg9[%swap3A_275] {strides = array<i32>} : memref<4096xf32, #tpu.memory_space<vmem>>, vector<16xf32>,
        tpu.vector_store %arg9[%swap3A_275], %gather3A_274 {strides = array<i32>} : memref<4096xf32, #tpu.memory_space<vmem>>, vector<16xf32>,
        %mul3A_277 = arith.constant 8 : i32
        %mul3A_278 = arith.muli %scan3A_213, %mul3A_277 : i32
        %add3A_279 = arith.constant 5 : i32
        %add3A_280 = arith.addi %mul3A_278, %add3A_279 : i32
        %mul3A_281 = arith.constant 16 : i32
        %mul3A_282 = arith.muli %add3A_280, %mul3A_281 : i32
        %add3A_283 = arith.constant 4096 : i32
        %add3A_284 = arith.addi %add3A_283, %mul3A_282 : i32
        %get3A_285 = arith.index_cast %add3A_284 : i32 to index
        %get3A_286 = tpu.vector_load %arg5[%get3A_285] {strides = array<i32>} : memref<16384xi32, #tpu.memory_space<vmem>>, vector<16xi32>,
        %gather3A_287 = tpu.vector_load_idx %arg6[%get3A_286] : memref<50000xf32, #tpu.memory_space<vmem>>[vector<16xi32>], vector<16xf32>,
        %swap3A_288 = arith.index_cast %mul3A_282 : i32 to index
        %swap3A_289 = tpu.vector_load %arg9[%swap3A_288] {strides = array<i32>} : memref<4096xf32, #tpu.memory_space<vmem>>, vector<16xf32>,
        tpu.vector_store %arg9[%swap3A_288], %gather3A_287 {strides = array<i32>} : memref<4096xf32, #tpu.memory_space<vmem>>, vector<16xf32>,
        %mul3A_290 = arith.constant 8 : i32
        %mul3A_291 = arith.muli %scan3A_213, %mul3A_290 : i32
        %add3A_292 = arith.constant 6 : i32
        %add3A_293 = arith.addi %mul3A_291, %add3A_292 : i32
        %mul3A_294 = arith.constant 16 : i32
        %mul3A_295 = arith.muli %add3A_293, %mul3A_294 : i32
        %add3A_296 = arith.constant 4096 : i32
        %add3A_297 = arith.addi %add3A_296, %mul3A_295 : i32
        %get3A_298 = arith.index_cast %add3A_297 : i32 to index
        %get3A_299 = tpu.vector_load %arg5[%get3A_298] {strides = array<i32>} : memref<16384xi32, #tpu.memory_space<vmem>>, vector<16xi32>,
        %gather3A_300 = tpu.vector_load_idx %arg6[%get3A_299] : memref<50000xf32, #tpu.memory_space<vmem>>[vector<16xi32>], vector<16xf32>,
        %swap3A_301 = arith.index_cast %mul3A_295 : i32 to index
        %swap3A_302 = tpu.vector_load %arg9[%swap3A_301] {strides = array<i32>} : memref<4096xf32, #tpu.memory_space<vmem>>, vector<16xf32>,
        tpu.vector_store %arg9[%swap3A_301], %gather3A_300 {strides = array<i32>} : memref<4096xf32, #tpu.memory_space<vmem>>, vector<16xf32>,
        %mul3A_303 = arith.constant 8 : i32
        %mul3A_304 = arith.muli %scan3A_213, %mul3A_303 : i32
        %add3A_305 = arith.constant 7 : i32
        %add3A_306 = arith.addi %mul3A_304, %add3A_305 : i32
        %mul3A_307 = arith.constant 16 : i32
        %mul3A_308 = arith.muli %add3A_306, %mul3A_307 : i32
        %add3A_309 = arith.constant 4096 : i32
        %add3A_310 = arith.addi %add3A_309, %mul3A_308 : i32
        %get3A_311 = arith.index_cast %add3A_310 : i32 to index
        %get3A_312 = tpu.vector_load %arg5[%get3A_311] {strides = array<i32>} : memref<16384xi32, #tpu.memory_space<vmem>>, vector<16xi32>,
        %gather3A_313 = tpu.vector_load_idx %arg6[%get3A_312] : memref<50000xf32, #tpu.memory_space<vmem>>[vector<16xi32>], vector<16xf32>,
        %swap3A_314 = arith.index_cast %mul3A_308 : i32 to index
        %swap3A_315 = tpu.vector_load %arg9[%swap3A_314] {strides = array<i32>} : memref<4096xf32, #tpu.memory_space<vmem>>, vector<16xf32>,
        tpu.vector_store %arg9[%swap3A_314], %gather3A_313 {strides = array<i32>} : memref<4096xf32, #tpu.memory_space<vmem>>, vector<16xf32>,
        %scan3A_316 = arith.constant 0 : i32
        scf.yield %scan3A_316 : i32
      }
      %scan3A_67 = arith.constant 32 : i32
      %dma_start3A_68 = arith.constant 4096 : i32
      %dma_start3A_69 = tpu.memref_slice %arg4[%add3A_34, %dma_start3A_68] : memref<512x16384xf32, #tpu.memory_space<hbm>> -> memref<1x4096xf32, #tpu.memory_space<hbm>>
      %dma_start3A_70 = tpu.memref_squeeze %dma_start3A_69 : memref<1x4096xf32, #tpu.memory_space<hbm>> -> memref<4096xf32, #tpu.memory_space<hbm>>
      %dma_start3A_71 = arith.constant 4096 : i32
      %dma_start3A_72 = tpu.memref_slice %arg4[%add3A_34, %dma_start3A_71] : memref<512x16384xf32, #tpu.memory_space<hbm>> -> memref<1x4096xf32, #tpu.memory_space<hbm>>
      %dma_start3A_73 = tpu.memref_squeeze %dma_start3A_72 : memref<1x4096xf32, #tpu.memory_space<hbm>> -> memref<4096xf32, #tpu.memory_space<hbm>>
      tpu.enqueue_dma source(%arg9 : memref<4096xf32, #tpu.memory_space<vmem>>) target(%dma_start3A_73 : memref<4096xf32, #tpu.memory_space<hbm>>) target_semaphore(%arg12 : memref<!tpu.dma_semaphore, #tpu.memory_space<semaphore_mem>>)
      %dma_wait3A_74 = arith.constant 0 : i32
      %dma_wait3A_75 = tpu.memref_slice %arg4[%add3A_34, %dma_wait3A_74] : memref<512x16384xf32, #tpu.memory_space<hbm>> -> memref<1x4096xf32, #tpu.memory_space<hbm>>
      %dma_wait3A_76 = tpu.memref_squeeze %dma_wait3A_75 : memref<1x4096xf32, #tpu.memory_space<hbm>> -> memref<4096xf32, #tpu.memory_space<hbm>>
      %dma_wait3A_77 = arith.constant 0 : i32
      %dma_wait3A_78 = tpu.memref_slice %arg4[%add3A_34, %dma_wait3A_77] : memref<512x16384xf32, #tpu.memory_space<hbm>> -> memref<1x4096xf32, #tpu.memory_space<hbm>>
      %dma_wait3A_79 = tpu.memref_squeeze %dma_wait3A_78 : memref<1x4096xf32, #tpu.memory_space<hbm>> -> memref<4096xf32, #tpu.memory_space<hbm>>
      tpu.wait_dma2 semaphore(%arg12 : memref<!tpu.dma_semaphore, #tpu.memory_space<semaphore_mem>>) src(%arg8 : memref<4096xf32, #tpu.memory_space<vmem>>) dst(%dma_wait3A_79 : memref<4096xf32, #tpu.memory_space<hbm>>)
      %scan3A_80 = arith.constant 0 : i32
      %scan3A_81 = arith.constant 0 : i32
      %scan3A_82 = arith.constant 32 : i32
      %scan3A_83 = arith.addi %scan3A_81, %scan3A_82 : i32
      %scan3A_84 = arith.constant 1 : i32
      %scan3A_85 = scf.for %scan3A_213 = %scan3A_81 to %scan3A_83 step %scan3A_84 iter_args(%scan3A_214 = %scan3A_80) -> (i32)  : i32 {
        %mul3A_215 = arith.constant 8 : i32
        %mul3A_216 = arith.muli %scan3A_213, %mul3A_215 : i32
        %add3A_217 = arith.constant 0 : i32
        %add3A_218 = arith.addi %mul3A_216, %add3A_217 : i32
        %mul3A_219 = arith.constant 16 : i32
        %mul3A_220 = arith.muli %add3A_218, %mul3A_219 : i32
        %add3A_221 = arith.constant 8192 : i32
        %add3A_222 = arith.addi %add3A_221, %mul3A_220 : i32
        %get3A = arith.index_cast %add3A_222 : i32 to index
        %get3A_223 = tpu.vector_load %arg5[%get3A] {strides = array<i32>} : memref<16384xi32, #tpu.memory_space<vmem>>, vector<16xi32>,
        %gather3A = tpu.vector_load_idx %arg6[%get3A_223] : memref<50000xf32, #tpu.memory_space<vmem>>[vector<16xi32>], vector<16xf32>,
        %swap3A = arith.index_cast %mul3A_220 : i32 to index
        %swap3A_224 = tpu.vector_load %arg8[%swap3A] {strides = array<i32>} : memref<4096xf32, #tpu.memory_space<vmem>>, vector<16xf32>,
        tpu.vector_store %arg8[%swap3A], %gather3A {strides = array<i32>} : memref<4096xf32, #tpu.memory_space<vmem>>, vector<16xf32>,
        %mul3A_225 = arith.constant 8 : i32
        %mul3A_226 = arith.muli %scan3A_213, %mul3A_225 : i32
        %add3A_227 = arith.constant 1 : i32
        %add3A_228 = arith.addi %mul3A_226, %add3A_227 : i32
        %mul3A_229 = arith.constant 16 : i32
        %mul3A_230 = arith.muli %add3A_228, %mul3A_229 : i32
        %add3A_231 = arith.constant 8192 : i32
        %add3A_232 = arith.addi %add3A_231, %mul3A_230 : i32
        %get3A_233 = arith.index_cast %add3A_232 : i32 to index
        %get3A_234 = tpu.vector_load %arg5[%get3A_233] {strides = array<i32>} : memref<16384xi32, #tpu.memory_space<vmem>>, vector<16xi32>,
        %gather3A_235 = tpu.vector_load_idx %arg6[%get3A_234] : memref<50000xf32, #tpu.memory_space<vmem>>[vector<16xi32>], vector<16xf32>,
        %swap3A_236 = arith.index_cast %mul3A_230 : i32 to index
        %swap3A_237 = tpu.vector_load %arg8[%swap3A_236] {strides = array<i32>} : memref<4096xf32, #tpu.memory_space<vmem>>, vector<16xf32>,
        tpu.vector_store %arg8[%swap3A_236], %gather3A_235 {strides = array<i32>} : memref<4096xf32, #tpu.memory_space<vmem>>, vector<16xf32>,
        %mul3A_238 = arith.constant 8 : i32
        %mul3A_239 = arith.muli %scan3A_213, %mul3A_238 : i32
        %add3A_240 = arith.constant 2 : i32
        %add3A_241 = arith.addi %mul3A_239, %add3A_240 : i32
        %mul3A_242 = arith.constant 16 : i32
        %mul3A_243 = arith.muli %add3A_241, %mul3A_242 : i32
        %add3A_244 = arith.constant 8192 : i32
        %add3A_245 = arith.addi %add3A_244, %mul3A_243 : i32
        %get3A_246 = arith.index_cast %add3A_245 : i32 to index
        %get3A_247 = tpu.vector_load %arg5[%get3A_246] {strides = array<i32>} : memref<16384xi32, #tpu.memory_space<vmem>>, vector<16xi32>,
        %gather3A_248 = tpu.vector_load_idx %arg6[%get3A_247] : memref<50000xf32, #tpu.memory_space<vmem>>[vector<16xi32>], vector<16xf32>,
        %swap3A_249 = arith.index_cast %mul3A_243 : i32 to index
        %swap3A_250 = tpu.vector_load %arg8[%swap3A_249] {strides = array<i32>} : memref<4096xf32, #tpu.memory_space<vmem>>, vector<16xf32>,
        tpu.vector_store %arg8[%swap3A_249], %gather3A_248 {strides = array<i32>} : memref<4096xf32, #tpu.memory_space<vmem>>, vector<16xf32>,
        %mul3A_251 = arith.constant 8 : i32
        %mul3A_252 = arith.muli %scan3A_213, %mul3A_251 : i32
        %add3A_253 = arith.constant 3 : i32
        %add3A_254 = arith.addi %mul3A_252, %add3A_253 : i32
        %mul3A_255 = arith.constant 16 : i32
        %mul3A_256 = arith.muli %add3A_254, %mul3A_255 : i32
        %add3A_257 = arith.constant 8192 : i32
        %add3A_258 = arith.addi %add3A_257, %mul3A_256 : i32
        %get3A_259 = arith.index_cast %add3A_258 : i32 to index
        %get3A_260 = tpu.vector_load %arg5[%get3A_259] {strides = array<i32>} : memref<16384xi32, #tpu.memory_space<vmem>>, vector<16xi32>,
        %gather3A_261 = tpu.vector_load_idx %arg6[%get3A_260] : memref<50000xf32, #tpu.memory_space<vmem>>[vector<16xi32>], vector<16xf32>,
        %swap3A_262 = arith.index_cast %mul3A_256 : i32 to index
        %swap3A_263 = tpu.vector_load %arg8[%swap3A_262] {strides = array<i32>} : memref<4096xf32, #tpu.memory_space<vmem>>, vector<16xf32>,
        tpu.vector_store %arg8[%swap3A_262], %gather3A_261 {strides = array<i32>} : memref<4096xf32, #tpu.memory_space<vmem>>, vector<16xf32>,
        %mul3A_264 = arith.constant 8 : i32
        %mul3A_265 = arith.muli %scan3A_213, %mul3A_264 : i32
        %add3A_266 = arith.constant 4 : i32
        %add3A_267 = arith.addi %mul3A_265, %add3A_266 : i32
        %mul3A_268 = arith.constant 16 : i32
        %mul3A_269 = arith.muli %add3A_267, %mul3A_268 : i32
        %add3A_270 = arith.constant 8192 : i32
        %add3A_271 = arith.addi %add3A_270, %mul3A_269 : i32
        %get3A_272 = arith.index_cast %add3A_271 : i32 to index
        %get3A_273 = tpu.vector_load %arg5[%get3A_272] {strides = array<i32>} : memref<16384xi32, #tpu.memory_space<vmem>>, vector<16xi32>,
        %gather3A_274 = tpu.vector_load_idx %arg6[%get3A_273] : memref<50000xf32, #tpu.memory_space<vmem>>[vector<16xi32>], vector<16xf32>,
        %swap3A_275 = arith.index_cast %mul3A_269 : i32 to index
        %swap3A_276 = tpu.vector_load %arg8[%swap3A_275] {strides = array<i32>} : memref<4096xf32, #tpu.memory_space<vmem>>, vector<16xf32>,
        tpu.vector_store %arg8[%swap3A_275], %gather3A_274 {strides = array<i32>} : memref<4096xf32, #tpu.memory_space<vmem>>, vector<16xf32>,
        %mul3A_277 = arith.constant 8 : i32
        %mul3A_278 = arith.muli %scan3A_213, %mul3A_277 : i32
        %add3A_279 = arith.constant 5 : i32
        %add3A_280 = arith.addi %mul3A_278, %add3A_279 : i32
        %mul3A_281 = arith.constant 16 : i32
        %mul3A_282 = arith.muli %add3A_280, %mul3A_281 : i32
        %add3A_283 = arith.constant 8192 : i32
        %add3A_284 = arith.addi %add3A_283, %mul3A_282 : i32
        %get3A_285 = arith.index_cast %add3A_284 : i32 to index
        %get3A_286 = tpu.vector_load %arg5[%get3A_285] {strides = array<i32>} : memref<16384xi32, #tpu.memory_space<vmem>>, vector<16xi32>,
        %gather3A_287 = tpu.vector_load_idx %arg6[%get3A_286] : memref<50000xf32, #tpu.memory_space<vmem>>[vector<16xi32>], vector<16xf32>,
        %swap3A_288 = arith.index_cast %mul3A_282 : i32 to index
        %swap3A_289 = tpu.vector_load %arg8[%swap3A_288] {strides = array<i32>} : memref<4096xf32, #tpu.memory_space<vmem>>, vector<16xf32>,
        tpu.vector_store %arg8[%swap3A_288], %gather3A_287 {strides = array<i32>} : memref<4096xf32, #tpu.memory_space<vmem>>, vector<16xf32>,
        %mul3A_290 = arith.constant 8 : i32
        %mul3A_291 = arith.muli %scan3A_213, %mul3A_290 : i32
        %add3A_292 = arith.constant 6 : i32
        %add3A_293 = arith.addi %mul3A_291, %add3A_292 : i32
        %mul3A_294 = arith.constant 16 : i32
        %mul3A_295 = arith.muli %add3A_293, %mul3A_294 : i32
        %add3A_296 = arith.constant 8192 : i32
        %add3A_297 = arith.addi %add3A_296, %mul3A_295 : i32
        %get3A_298 = arith.index_cast %add3A_297 : i32 to index
        %get3A_299 = tpu.vector_load %arg5[%get3A_298] {strides = array<i32>} : memref<16384xi32, #tpu.memory_space<vmem>>, vector<16xi32>,
        %gather3A_300 = tpu.vector_load_idx %arg6[%get3A_299] : memref<50000xf32, #tpu.memory_space<vmem>>[vector<16xi32>], vector<16xf32>,
        %swap3A_301 = arith.index_cast %mul3A_295 : i32 to index
        %swap3A_302 = tpu.vector_load %arg8[%swap3A_301] {strides = array<i32>} : memref<4096xf32, #tpu.memory_space<vmem>>, vector<16xf32>,
        tpu.vector_store %arg8[%swap3A_301], %gather3A_300 {strides = array<i32>} : memref<4096xf32, #tpu.memory_space<vmem>>, vector<16xf32>,
        %mul3A_303 = arith.constant 8 : i32
        %mul3A_304 = arith.muli %scan3A_213, %mul3A_303 : i32
        %add3A_305 = arith.constant 7 : i32
        %add3A_306 = arith.addi %mul3A_304, %add3A_305 : i32
        %mul3A_307 = arith.constant 16 : i32
        %mul3A_308 = arith.muli %add3A_306, %mul3A_307 : i32
        %add3A_309 = arith.constant 8192 : i32
        %add3A_310 = arith.addi %add3A_309, %mul3A_308 : i32
        %get3A_311 = arith.index_cast %add3A_310 : i32 to index
        %get3A_312 = tpu.vector_load %arg5[%get3A_311] {strides = array<i32>} : memref<16384xi32, #tpu.memory_space<vmem>>, vector<16xi32>,
        %gather3A_313 = tpu.vector_load_idx %arg6[%get3A_312] : memref<50000xf32, #tpu.memory_space<vmem>>[vector<16xi32>], vector<16xf32>,
        %swap3A_314 = arith.index_cast %mul3A_308 : i32 to index
        %swap3A_315 = tpu.vector_load %arg8[%swap3A_314] {strides = array<i32>} : memref<4096xf32, #tpu.memory_space<vmem>>, vector<16xf32>,
        tpu.vector_store %arg8[%swap3A_314], %gather3A_313 {strides = array<i32>} : memref<4096xf32, #tpu.memory_space<vmem>>, vector<16xf32>,
        %scan3A_316 = arith.constant 0 : i32
        scf.yield %scan3A_316 : i32
      }
      %scan3A_86 = arith.constant 32 : i32
      %dma_start3A_87 = arith.constant 8192 : i32
      %dma_start3A_88 = tpu.memref_slice %arg4[%add3A_34, %dma_start3A_87] : memref<512x16384xf32, #tpu.memory_space<hbm>> -> memref<1x4096xf32, #tpu.memory_space<hbm>>
      %dma_start3A_89 = tpu.memref_squeeze %dma_start3A_88 : memref<1x4096xf32, #tpu.memory_space<hbm>> -> memref<4096xf32, #tpu.memory_space<hbm>>
      %dma_start3A_90 = arith.constant 8192 : i32
      %dma_start3A_91 = tpu.memref_slice %arg4[%add3A_34, %dma_start3A_90] : memref<512x16384xf32, #tpu.memory_space<hbm>> -> memref<1x4096xf32, #tpu.memory_space<hbm>>
      %dma_start3A_92 = tpu.memref_squeeze %dma_start3A_91 : memref<1x4096xf32, #tpu.memory_space<hbm>> -> memref<4096xf32, #tpu.memory_space<hbm>>
      tpu.enqueue_dma source(%arg8 : memref<4096xf32, #tpu.memory_space<vmem>>) target(%dma_start3A_92 : memref<4096xf32, #tpu.memory_space<hbm>>) target_semaphore(%arg12 : memref<!tpu.dma_semaphore, #tpu.memory_space<semaphore_mem>>)
      %dma_wait3A_93 = arith.constant 4096 : i32
      %dma_wait3A_94 = tpu.memref_slice %arg4[%add3A_34, %dma_wait3A_93] : memref<512x16384xf32, #tpu.memory_space<hbm>> -> memref<1x4096xf32, #tpu.memory_space<hbm>>
      %dma_wait3A_95 = tpu.memref_squeeze %dma_wait3A_94 : memref<1x4096xf32, #tpu.memory_space<hbm>> -> memref<4096xf32, #tpu.memory_space<hbm>>
      %dma_wait3A_96 = arith.constant 4096 : i32
      %dma_wait3A_97 = tpu.memref_slice %arg4[%add3A_34, %dma_wait3A_96] : memref<512x16384xf32, #tpu.memory_space<hbm>> -> memref<1x4096xf32, #tpu.memory_space<hbm>>
      %dma_wait3A_98 = tpu.memref_squeeze %dma_wait3A_97 : memref<1x4096xf32, #tpu.memory_space<hbm>> -> memref<4096xf32, #tpu.memory_space<hbm>>
      tpu.wait_dma2 semaphore(%arg12 : memref<!tpu.dma_semaphore, #tpu.memory_space<semaphore_mem>>) src(%arg9 : memref<4096xf32, #tpu.memory_space<vmem>>) dst(%dma_wait3A_98 : memref<4096xf32, #tpu.memory_space<hbm>>)
      %scan3A_99 = arith.constant 0 : i32
      %scan3A_100 = arith.constant 0 : i32
      %scan3A_101 = arith.constant 32 : i32
      %scan3A_102 = arith.addi %scan3A_100, %scan3A_101 : i32
      %scan3A_103 = arith.constant 1 : i32
      %scan3A_104 = scf.for %scan3A_213 = %scan3A_100 to %scan3A_102 step %scan3A_103 iter_args(%scan3A_214 = %scan3A_99) -> (i32)  : i32 {
        %mul3A_215 = arith.constant 8 : i32
        %mul3A_216 = arith.muli %scan3A_213, %mul3A_215 : i32
        %add3A_217 = arith.constant 0 : i32
        %add3A_218 = arith.addi %mul3A_216, %add3A_217 : i32
        %mul3A_219 = arith.constant 16 : i32
        %mul3A_220 = arith.muli %add3A_218, %mul3A_219 : i32
        %add3A_221 = arith.constant 12288 : i32
        %add3A_222 = arith.addi %add3A_221, %mul3A_220 : i32
        %get3A = arith.index_cast %add3A_222 : i32 to index
        %get3A_223 = tpu.vector_load %arg5[%get3A] {strides = array<i32>} : memref<16384xi32, #tpu.memory_space<vmem>>, vector<16xi32>,
        %gather3A = tpu.vector_load_idx %arg6[%get3A_223] : memref<50000xf32, #tpu.memory_space<vmem>>[vector<16xi32>], vector<16xf32>,
        %swap3A = arith.index_cast %mul3A_220 : i32 to index
        %swap3A_224 = tpu.vector_load %arg9[%swap3A] {strides = array<i32>} : memref<4096xf32, #tpu.memory_space<vmem>>, vector<16xf32>,
        tpu.vector_store %arg9[%swap3A], %gather3A {strides = array<i32>} : memref<4096xf32, #tpu.memory_space<vmem>>, vector<16xf32>,
        %mul3A_225 = arith.constant 8 : i32
        %mul3A_226 = arith.muli %scan3A_213, %mul3A_225 : i32
        %add3A_227 = arith.constant 1 : i32
        %add3A_228 = arith.addi %mul3A_226, %add3A_227 : i32
        %mul3A_229 = arith.constant 16 : i32
        %mul3A_230 = arith.muli %add3A_228, %mul3A_229 : i32
        %add3A_231 = arith.constant 12288 : i32
        %add3A_232 = arith.addi %add3A_231, %mul3A_230 : i32
        %get3A_233 = arith.index_cast %add3A_232 : i32 to index
        %get3A_234 = tpu.vector_load %arg5[%get3A_233] {strides = array<i32>} : memref<16384xi32, #tpu.memory_space<vmem>>, vector<16xi32>,
        %gather3A_235 = tpu.vector_load_idx %arg6[%get3A_234] : memref<50000xf32, #tpu.memory_space<vmem>>[vector<16xi32>], vector<16xf32>,
        %swap3A_236 = arith.index_cast %mul3A_230 : i32 to index
        %swap3A_237 = tpu.vector_load %arg9[%swap3A_236] {strides = array<i32>} : memref<4096xf32, #tpu.memory_space<vmem>>, vector<16xf32>,
        tpu.vector_store %arg9[%swap3A_236], %gather3A_235 {strides = array<i32>} : memref<4096xf32, #tpu.memory_space<vmem>>, vector<16xf32>,
        %mul3A_238 = arith.constant 8 : i32
        %mul3A_239 = arith.muli %scan3A_213, %mul3A_238 : i32
        %add3A_240 = arith.constant 2 : i32
        %add3A_241 = arith.addi %mul3A_239, %add3A_240 : i32
        %mul3A_242 = arith.constant 16 : i32
        %mul3A_243 = arith.muli %add3A_241, %mul3A_242 : i32
        %add3A_244 = arith.constant 12288 : i32
        %add3A_245 = arith.addi %add3A_244, %mul3A_243 : i32
        %get3A_246 = arith.index_cast %add3A_245 : i32 to index
        %get3A_247 = tpu.vector_load %arg5[%get3A_246] {strides = array<i32>} : memref<16384xi32, #tpu.memory_space<vmem>>, vector<16xi32>,
        %gather3A_248 = tpu.vector_load_idx %arg6[%get3A_247] : memref<50000xf32, #tpu.memory_space<vmem>>[vector<16xi32>], vector<16xf32>,
        %swap3A_249 = arith.index_cast %mul3A_243 : i32 to index
        %swap3A_250 = tpu.vector_load %arg9[%swap3A_249] {strides = array<i32>} : memref<4096xf32, #tpu.memory_space<vmem>>, vector<16xf32>,
        tpu.vector_store %arg9[%swap3A_249], %gather3A_248 {strides = array<i32>} : memref<4096xf32, #tpu.memory_space<vmem>>, vector<16xf32>,
        %mul3A_251 = arith.constant 8 : i32
        %mul3A_252 = arith.muli %scan3A_213, %mul3A_251 : i32
        %add3A_253 = arith.constant 3 : i32
        %add3A_254 = arith.addi %mul3A_252, %add3A_253 : i32
        %mul3A_255 = arith.constant 16 : i32
        %mul3A_256 = arith.muli %add3A_254, %mul3A_255 : i32
        %add3A_257 = arith.constant 12288 : i32
        %add3A_258 = arith.addi %add3A_257, %mul3A_256 : i32
        %get3A_259 = arith.index_cast %add3A_258 : i32 to index
        %get3A_260 = tpu.vector_load %arg5[%get3A_259] {strides = array<i32>} : memref<16384xi32, #tpu.memory_space<vmem>>, vector<16xi32>,
        %gather3A_261 = tpu.vector_load_idx %arg6[%get3A_260] : memref<50000xf32, #tpu.memory_space<vmem>>[vector<16xi32>], vector<16xf32>,
        %swap3A_262 = arith.index_cast %mul3A_256 : i32 to index
        %swap3A_263 = tpu.vector_load %arg9[%swap3A_262] {strides = array<i32>} : memref<4096xf32, #tpu.memory_space<vmem>>, vector<16xf32>,
        tpu.vector_store %arg9[%swap3A_262], %gather3A_261 {strides = array<i32>} : memref<4096xf32, #tpu.memory_space<vmem>>, vector<16xf32>,
        %mul3A_264 = arith.constant 8 : i32
        %mul3A_265 = arith.muli %scan3A_213, %mul3A_264 : i32
        %add3A_266 = arith.constant 4 : i32
        %add3A_267 = arith.addi %mul3A_265, %add3A_266 : i32
        %mul3A_268 = arith.constant 16 : i32
        %mul3A_269 = arith.muli %add3A_267, %mul3A_268 : i32
        %add3A_270 = arith.constant 12288 : i32
        %add3A_271 = arith.addi %add3A_270, %mul3A_269 : i32
        %get3A_272 = arith.index_cast %add3A_271 : i32 to index
        %get3A_273 = tpu.vector_load %arg5[%get3A_272] {strides = array<i32>} : memref<16384xi32, #tpu.memory_space<vmem>>, vector<16xi32>,
        %gather3A_274 = tpu.vector_load_idx %arg6[%get3A_273] : memref<50000xf32, #tpu.memory_space<vmem>>[vector<16xi32>], vector<16xf32>,
        %swap3A_275 = arith.index_cast %mul3A_269 : i32 to index
        %swap3A_276 = tpu.vector_load %arg9[%swap3A_275] {strides = array<i32>} : memref<4096xf32, #tpu.memory_space<vmem>>, vector<16xf32>,
        tpu.vector_store %arg9[%swap3A_275], %gather3A_274 {strides = array<i32>} : memref<4096xf32, #tpu.memory_space<vmem>>, vector<16xf32>,
        %mul3A_277 = arith.constant 8 : i32
        %mul3A_278 = arith.muli %scan3A_213, %mul3A_277 : i32
        %add3A_279 = arith.constant 5 : i32
        %add3A_280 = arith.addi %mul3A_278, %add3A_279 : i32
        %mul3A_281 = arith.constant 16 : i32
        %mul3A_282 = arith.muli %add3A_280, %mul3A_281 : i32
        %add3A_283 = arith.constant 12288 : i32
        %add3A_284 = arith.addi %add3A_283, %mul3A_282 : i32
        %get3A_285 = arith.index_cast %add3A_284 : i32 to index
        %get3A_286 = tpu.vector_load %arg5[%get3A_285] {strides = array<i32>} : memref<16384xi32, #tpu.memory_space<vmem>>, vector<16xi32>,
        %gather3A_287 = tpu.vector_load_idx %arg6[%get3A_286] : memref<50000xf32, #tpu.memory_space<vmem>>[vector<16xi32>], vector<16xf32>,
        %swap3A_288 = arith.index_cast %mul3A_282 : i32 to index
        %swap3A_289 = tpu.vector_load %arg9[%swap3A_288] {strides = array<i32>} : memref<4096xf32, #tpu.memory_space<vmem>>, vector<16xf32>,
        tpu.vector_store %arg9[%swap3A_288], %gather3A_287 {strides = array<i32>} : memref<4096xf32, #tpu.memory_space<vmem>>, vector<16xf32>,
        %mul3A_290 = arith.constant 8 : i32
        %mul3A_291 = arith.muli %scan3A_213, %mul3A_290 : i32
        %add3A_292 = arith.constant 6 : i32
        %add3A_293 = arith.addi %mul3A_291, %add3A_292 : i32
        %mul3A_294 = arith.constant 16 : i32
        %mul3A_295 = arith.muli %add3A_293, %mul3A_294 : i32
        %add3A_296 = arith.constant 12288 : i32
        %add3A_297 = arith.addi %add3A_296, %mul3A_295 : i32
        %get3A_298 = arith.index_cast %add3A_297 : i32 to index
        %get3A_299 = tpu.vector_load %arg5[%get3A_298] {strides = array<i32>} : memref<16384xi32, #tpu.memory_space<vmem>>, vector<16xi32>,
        %gather3A_300 = tpu.vector_load_idx %arg6[%get3A_299] : memref<50000xf32, #tpu.memory_space<vmem>>[vector<16xi32>], vector<16xf32>,
        %swap3A_301 = arith.index_cast %mul3A_295 : i32 to index
        %swap3A_302 = tpu.vector_load %arg9[%swap3A_301] {strides = array<i32>} : memref<4096xf32, #tpu.memory_space<vmem>>, vector<16xf32>,
        tpu.vector_store %arg9[%swap3A_301], %gather3A_300 {strides = array<i32>} : memref<4096xf32, #tpu.memory_space<vmem>>, vector<16xf32>,
        %mul3A_303 = arith.constant 8 : i32
        %mul3A_304 = arith.muli %scan3A_213, %mul3A_303 : i32
        %add3A_305 = arith.constant 7 : i32
        %add3A_306 = arith.addi %mul3A_304, %add3A_305 : i32
        %mul3A_307 = arith.constant 16 : i32
        %mul3A_308 = arith.muli %add3A_306, %mul3A_307 : i32
        %add3A_309 = arith.constant 12288 : i32
        %add3A_310 = arith.addi %add3A_309, %mul3A_308 : i32
        %get3A_311 = arith.index_cast %add3A_310 : i32 to index
        %get3A_312 = tpu.vector_load %arg5[%get3A_311] {strides = array<i32>} : memref<16384xi32, #tpu.memory_space<vmem>>, vector<16xi32>,
        %gather3A_313 = tpu.vector_load_idx %arg6[%get3A_312] : memref<50000xf32, #tpu.memory_space<vmem>>[vector<16xi32>], vector<16xf32>,
        %swap3A_314 = arith.index_cast %mul3A_308 : i32 to index
        %swap3A_315 = tpu.vector_load %arg9[%swap3A_314] {strides = array<i32>} : memref<4096xf32, #tpu.memory_space<vmem>>, vector<16xf32>,
        tpu.vector_store %arg9[%swap3A_314], %gather3A_313 {strides = array<i32>} : memref<4096xf32, #tpu.memory_space<vmem>>, vector<16xf32>,
        %scan3A_316 = arith.constant 0 : i32
        scf.yield %scan3A_316 : i32
      }
      %scan3A_105 = arith.constant 32 : i32
      %dma_start3A_106 = arith.constant 12288 : i32
      %dma_start3A_107 = tpu.memref_slice %arg4[%add3A_34, %dma_start3A_106] : memref<512x16384xf32, #tpu.memory_space<hbm>> -> memref<1x4096xf32, #tpu.memory_space<hbm>>
      %dma_start3A_108 = tpu.memref_squeeze %dma_start3A_107 : memref<1x4096xf32, #tpu.memory_space<hbm>> -> memref<4096xf32, #tpu.memory_space<hbm>>
      %dma_start3A_109 = arith.constant 12288 : i32
      %dma_start3A_110 = tpu.memref_slice %arg4[%add3A_34, %dma_start3A_109] : memref<512x16384xf32, #tpu.memory_space<hbm>> -> memref<1x4096xf32, #tpu.memory_space<hbm>>
      %dma_start3A_111 = tpu.memref_squeeze %dma_start3A_110 : memref<1x4096xf32, #tpu.memory_space<hbm>> -> memref<4096xf32, #tpu.memory_space<hbm>>
      tpu.enqueue_dma source(%arg9 : memref<4096xf32, #tpu.memory_space<vmem>>) target(%dma_start3A_111 : memref<4096xf32, #tpu.memory_space<hbm>>) target_semaphore(%arg12 : memref<!tpu.dma_semaphore, #tpu.memory_space<semaphore_mem>>)
      %dma_wait3A_112 = arith.constant 8192 : i32
      %dma_wait3A_113 = tpu.memref_slice %arg4[%add3A_34, %dma_wait3A_112] : memref<512x16384xf32, #tpu.memory_space<hbm>> -> memref<1x4096xf32, #tpu.memory_space<hbm>>
      %dma_wait3A_114 = tpu.memref_squeeze %dma_wait3A_113 : memref<1x4096xf32, #tpu.memory_space<hbm>> -> memref<4096xf32, #tpu.memory_space<hbm>>
      %dma_wait3A_115 = arith.constant 8192 : i32
      %dma_wait3A_116 = tpu.memref_slice %arg4[%add3A_34, %dma_wait3A_115] : memref<512x16384xf32, #tpu.memory_space<hbm>> -> memref<1x4096xf32, #tpu.memory_space<hbm>>
      %dma_wait3A_117 = tpu.memref_squeeze %dma_wait3A_116 : memref<1x4096xf32, #tpu.memory_space<hbm>> -> memref<4096xf32, #tpu.memory_space<hbm>>
      tpu.wait_dma2 semaphore(%arg12 : memref<!tpu.dma_semaphore, #tpu.memory_space<semaphore_mem>>) src(%arg8 : memref<4096xf32, #tpu.memory_space<vmem>>) dst(%dma_wait3A_117 : memref<4096xf32, #tpu.memory_space<hbm>>)
      %dma_wait3A_118 = arith.constant 12288 : i32
      %dma_wait3A_119 = tpu.memref_slice %arg4[%add3A_34, %dma_wait3A_118] : memref<512x16384xf32, #tpu.memory_space<hbm>> -> memref<1x4096xf32, #tpu.memory_space<hbm>>
      %dma_wait3A_120 = tpu.memref_squeeze %dma_wait3A_119 : memref<1x4096xf32, #tpu.memory_space<hbm>> -> memref<4096xf32, #tpu.memory_space<hbm>>
      %dma_wait3A_121 = arith.constant 12288 : i32
      %dma_wait3A_122 = tpu.memref_slice %arg4[%add3A_34, %dma_wait3A_121] : memref<512x16384xf32, #tpu.memory_space<hbm>> -> memref<1x4096xf32, #tpu.memory_space<hbm>>
      %dma_wait3A_123 = tpu.memref_squeeze %dma_wait3A_122 : memref<1x4096xf32, #tpu.memory_space<hbm>> -> memref<4096xf32, #tpu.memory_space<hbm>>
      tpu.wait_dma2 semaphore(%arg12 : memref<!tpu.dma_semaphore, #tpu.memory_space<semaphore_mem>>) src(%arg9 : memref<4096xf32, #tpu.memory_space<vmem>>) dst(%dma_wait3A_123 : memref<4096xf32, #tpu.memory_space<hbm>>)
      %lt3A = arith.constant 7 : i32
      %lt3A_124 = arith.cmpi slt, %scan3A_30, %lt3A : i32
      %convert_element_type3A = arith.extui %lt3A_124 : i1 to i32
      %cond3A = arith.constant 0 : i32
      %cond3A_125 = arith.cmpi ne, %convert_element_type3A, %cond3A : i32
      scf.if %cond3A_125 {
        %add3A_213 = arith.constant 2 : i32
        %add3A_214 = arith.addi %add3A_34, %add3A_213 : i32
        %dma_start3A_215 = arith.constant 0 : i32
        %dma_start3A_216 = tpu.memref_slice %arg2[%add3A_214, %dma_start3A_215] : memref<512x50000xf32, #tpu.memory_space<hbm>> -> memref<1x50000xf32, #tpu.memory_space<hbm>>
        %dma_start3A_217 = tpu.memref_squeeze %dma_start3A_216 : memref<1x50000xf32, #tpu.memory_space<hbm>> -> memref<50000xf32, #tpu.memory_space<hbm>>
        %dma_start3A_218 = arith.constant 0 : i32
        %dma_start3A_219 = tpu.memref_slice %arg2[%add3A_214, %dma_start3A_218] : memref<512x50000xf32, #tpu.memory_space<hbm>> -> memref<1x50000xf32, #tpu.memory_space<hbm>>
        %dma_start3A_220 = tpu.memref_squeeze %dma_start3A_219 : memref<1x50000xf32, #tpu.memory_space<hbm>> -> memref<50000xf32, #tpu.memory_space<hbm>>
        tpu.enqueue_dma source(%dma_start3A_220 : memref<50000xf32, #tpu.memory_space<hbm>>) target(%arg6 : memref<50000xf32, #tpu.memory_space<vmem>>) target_semaphore(%arg10 : memref<!tpu.dma_semaphore, #tpu.memory_space<semaphore_mem>>)
      } else {
      }
      %add3A_126 = arith.constant 1 : i32
      %add3A_127 = arith.addi %add3A_34, %add3A_126 : i32
      %dma_wait3A_128 = arith.constant 0 : i32
      %dma_wait3A_129 = tpu.memref_slice %arg2[%add3A_127, %dma_wait3A_128] : memref<512x50000xf32, #tpu.memory_space<hbm>> -> memref<1x50000xf32, #tpu.memory_space<hbm>>
      %dma_wait3A_130 = tpu.memref_squeeze %dma_wait3A_129 : memref<1x50000xf32, #tpu.memory_space<hbm>> -> memref<50000xf32, #tpu.memory_space<hbm>>
      %dma_wait3A_131 = arith.constant 0 : i32
      %dma_wait3A_132 = tpu.memref_slice %arg2[%add3A_127, %dma_wait3A_131] : memref<512x50000xf32, #tpu.memory_space<hbm>> -> memref<1x50000xf32, #tpu.memory_space<hbm>>
      %dma_wait3A_133 = tpu.memref_squeeze %dma_wait3A_132 : memref<1x50000xf32, #tpu.memory_space<hbm>> -> memref<50000xf32, #tpu.memory_space<hbm>>
      tpu.wait_dma2 semaphore(%arg11 : memref<!tpu.dma_semaphore, #tpu.memory_space<semaphore_mem>>) src(%dma_wait3A_133 : memref<50000xf32, #tpu.memory_space<hbm>>) dst(%arg7 : memref<50000xf32, #tpu.memory_space<vmem>>)
      %add3A_134 = arith.constant 1 : i32
      %add3A_135 = arith.addi %add3A_34, %add3A_134 : i32
      %scan3A_136 = arith.constant 0 : i32
      %scan3A_137 = arith.constant 0 : i32
      %scan3A_138 = arith.constant 32 : i32
      %scan3A_139 = arith.addi %scan3A_137, %scan3A_138 : i32
      %scan3A_140 = arith.constant 1 : i32
      %scan3A_141 = scf.for %scan3A_213 = %scan3A_137 to %scan3A_139 step %scan3A_140 iter_args(%scan3A_214 = %scan3A_136) -> (i32)  : i32 {
        %mul3A_215 = arith.constant 8 : i32
        %mul3A_216 = arith.muli %scan3A_213, %mul3A_215 : i32
        %add3A_217 = arith.constant 0 : i32
        %add3A_218 = arith.addi %mul3A_216, %add3A_217 : i32
        %mul3A_219 = arith.constant 16 : i32
        %mul3A_220 = arith.muli %add3A_218, %mul3A_219 : i32
        %add3A_221 = arith.constant 0 : i32
        %add3A_222 = arith.addi %add3A_221, %mul3A_220 : i32
        %get3A = arith.index_cast %add3A_222 : i32 to index
        %get3A_223 = tpu.vector_load %arg5[%get3A] {strides = array<i32>} : memref<16384xi32, #tpu.memory_space<vmem>>, vector<16xi32>,
        %gather3A = tpu.vector_load_idx %arg7[%get3A_223] : memref<50000xf32, #tpu.memory_space<vmem>>[vector<16xi32>], vector<16xf32>,
        %swap3A = arith.index_cast %mul3A_220 : i32 to index
        %swap3A_224 = tpu.vector_load %arg8[%swap3A] {strides = array<i32>} : memref<4096xf32, #tpu.memory_space<vmem>>, vector<16xf32>,
        tpu.vector_store %arg8[%swap3A], %gather3A {strides = array<i32>} : memref<4096xf32, #tpu.memory_space<vmem>>, vector<16xf32>,
        %mul3A_225 = arith.constant 8 : i32
        %mul3A_226 = arith.muli %scan3A_213, %mul3A_225 : i32
        %add3A_227 = arith.constant 1 : i32
        %add3A_228 = arith.addi %mul3A_226, %add3A_227 : i32
        %mul3A_229 = arith.constant 16 : i32
        %mul3A_230 = arith.muli %add3A_228, %mul3A_229 : i32
        %add3A_231 = arith.constant 0 : i32
        %add3A_232 = arith.addi %add3A_231, %mul3A_230 : i32
        %get3A_233 = arith.index_cast %add3A_232 : i32 to index
        %get3A_234 = tpu.vector_load %arg5[%get3A_233] {strides = array<i32>} : memref<16384xi32, #tpu.memory_space<vmem>>, vector<16xi32>,
        %gather3A_235 = tpu.vector_load_idx %arg7[%get3A_234] : memref<50000xf32, #tpu.memory_space<vmem>>[vector<16xi32>], vector<16xf32>,
        %swap3A_236 = arith.index_cast %mul3A_230 : i32 to index
        %swap3A_237 = tpu.vector_load %arg8[%swap3A_236] {strides = array<i32>} : memref<4096xf32, #tpu.memory_space<vmem>>, vector<16xf32>,
        tpu.vector_store %arg8[%swap3A_236], %gather3A_235 {strides = array<i32>} : memref<4096xf32, #tpu.memory_space<vmem>>, vector<16xf32>,
        %mul3A_238 = arith.constant 8 : i32
        %mul3A_239 = arith.muli %scan3A_213, %mul3A_238 : i32
        %add3A_240 = arith.constant 2 : i32
        %add3A_241 = arith.addi %mul3A_239, %add3A_240 : i32
        %mul3A_242 = arith.constant 16 : i32
        %mul3A_243 = arith.muli %add3A_241, %mul3A_242 : i32
        %add3A_244 = arith.constant 0 : i32
        %add3A_245 = arith.addi %add3A_244, %mul3A_243 : i32
        %get3A_246 = arith.index_cast %add3A_245 : i32 to index
        %get3A_247 = tpu.vector_load %arg5[%get3A_246] {strides = array<i32>} : memref<16384xi32, #tpu.memory_space<vmem>>, vector<16xi32>,
        %gather3A_248 = tpu.vector_load_idx %arg7[%get3A_247] : memref<50000xf32, #tpu.memory_space<vmem>>[vector<16xi32>], vector<16xf32>,
        %swap3A_249 = arith.index_cast %mul3A_243 : i32 to index
        %swap3A_250 = tpu.vector_load %arg8[%swap3A_249] {strides = array<i32>} : memref<4096xf32, #tpu.memory_space<vmem>>, vector<16xf32>,
        tpu.vector_store %arg8[%swap3A_249], %gather3A_248 {strides = array<i32>} : memref<4096xf32, #tpu.memory_space<vmem>>, vector<16xf32>,
        %mul3A_251 = arith.constant 8 : i32
        %mul3A_252 = arith.muli %scan3A_213, %mul3A_251 : i32
        %add3A_253 = arith.constant 3 : i32
        %add3A_254 = arith.addi %mul3A_252, %add3A_253 : i32
        %mul3A_255 = arith.constant 16 : i32
        %mul3A_256 = arith.muli %add3A_254, %mul3A_255 : i32
        %add3A_257 = arith.constant 0 : i32
        %add3A_258 = arith.addi %add3A_257, %mul3A_256 : i32
        %get3A_259 = arith.index_cast %add3A_258 : i32 to index
        %get3A_260 = tpu.vector_load %arg5[%get3A_259] {strides = array<i32>} : memref<16384xi32, #tpu.memory_space<vmem>>, vector<16xi32>,
        %gather3A_261 = tpu.vector_load_idx %arg7[%get3A_260] : memref<50000xf32, #tpu.memory_space<vmem>>[vector<16xi32>], vector<16xf32>,
        %swap3A_262 = arith.index_cast %mul3A_256 : i32 to index
        %swap3A_263 = tpu.vector_load %arg8[%swap3A_262] {strides = array<i32>} : memref<4096xf32, #tpu.memory_space<vmem>>, vector<16xf32>,
        tpu.vector_store %arg8[%swap3A_262], %gather3A_261 {strides = array<i32>} : memref<4096xf32, #tpu.memory_space<vmem>>, vector<16xf32>,
        %mul3A_264 = arith.constant 8 : i32
        %mul3A_265 = arith.muli %scan3A_213, %mul3A_264 : i32
        %add3A_266 = arith.constant 4 : i32
        %add3A_267 = arith.addi %mul3A_265, %add3A_266 : i32
        %mul3A_268 = arith.constant 16 : i32
        %mul3A_269 = arith.muli %add3A_267, %mul3A_268 : i32
        %add3A_270 = arith.constant 0 : i32
        %add3A_271 = arith.addi %add3A_270, %mul3A_269 : i32
        %get3A_272 = arith.index_cast %add3A_271 : i32 to index
        %get3A_273 = tpu.vector_load %arg5[%get3A_272] {strides = array<i32>} : memref<16384xi32, #tpu.memory_space<vmem>>, vector<16xi32>,
        %gather3A_274 = tpu.vector_load_idx %arg7[%get3A_273] : memref<50000xf32, #tpu.memory_space<vmem>>[vector<16xi32>], vector<16xf32>,
        %swap3A_275 = arith.index_cast %mul3A_269 : i32 to index
        %swap3A_276 = tpu.vector_load %arg8[%swap3A_275] {strides = array<i32>} : memref<4096xf32, #tpu.memory_space<vmem>>, vector<16xf32>,
        tpu.vector_store %arg8[%swap3A_275], %gather3A_274 {strides = array<i32>} : memref<4096xf32, #tpu.memory_space<vmem>>, vector<16xf32>,
        %mul3A_277 = arith.constant 8 : i32
        %mul3A_278 = arith.muli %scan3A_213, %mul3A_277 : i32
        %add3A_279 = arith.constant 5 : i32
        %add3A_280 = arith.addi %mul3A_278, %add3A_279 : i32
        %mul3A_281 = arith.constant 16 : i32
        %mul3A_282 = arith.muli %add3A_280, %mul3A_281 : i32
        %add3A_283 = arith.constant 0 : i32
        %add3A_284 = arith.addi %add3A_283, %mul3A_282 : i32
        %get3A_285 = arith.index_cast %add3A_284 : i32 to index
        %get3A_286 = tpu.vector_load %arg5[%get3A_285] {strides = array<i32>} : memref<16384xi32, #tpu.memory_space<vmem>>, vector<16xi32>,
        %gather3A_287 = tpu.vector_load_idx %arg7[%get3A_286] : memref<50000xf32, #tpu.memory_space<vmem>>[vector<16xi32>], vector<16xf32>,
        %swap3A_288 = arith.index_cast %mul3A_282 : i32 to index
        %swap3A_289 = tpu.vector_load %arg8[%swap3A_288] {strides = array<i32>} : memref<4096xf32, #tpu.memory_space<vmem>>, vector<16xf32>,
        tpu.vector_store %arg8[%swap3A_288], %gather3A_287 {strides = array<i32>} : memref<4096xf32, #tpu.memory_space<vmem>>, vector<16xf32>,
        %mul3A_290 = arith.constant 8 : i32
        %mul3A_291 = arith.muli %scan3A_213, %mul3A_290 : i32
        %add3A_292 = arith.constant 6 : i32
        %add3A_293 = arith.addi %mul3A_291, %add3A_292 : i32
        %mul3A_294 = arith.constant 16 : i32
        %mul3A_295 = arith.muli %add3A_293, %mul3A_294 : i32
        %add3A_296 = arith.constant 0 : i32
        %add3A_297 = arith.addi %add3A_296, %mul3A_295 : i32
        %get3A_298 = arith.index_cast %add3A_297 : i32 to index
        %get3A_299 = tpu.vector_load %arg5[%get3A_298] {strides = array<i32>} : memref<16384xi32, #tpu.memory_space<vmem>>, vector<16xi32>,
        %gather3A_300 = tpu.vector_load_idx %arg7[%get3A_299] : memref<50000xf32, #tpu.memory_space<vmem>>[vector<16xi32>], vector<16xf32>,
        %swap3A_301 = arith.index_cast %mul3A_295 : i32 to index
        %swap3A_302 = tpu.vector_load %arg8[%swap3A_301] {strides = array<i32>} : memref<4096xf32, #tpu.memory_space<vmem>>, vector<16xf32>,
        tpu.vector_store %arg8[%swap3A_301], %gather3A_300 {strides = array<i32>} : memref<4096xf32, #tpu.memory_space<vmem>>, vector<16xf32>,
        %mul3A_303 = arith.constant 8 : i32
        %mul3A_304 = arith.muli %scan3A_213, %mul3A_303 : i32
        %add3A_305 = arith.constant 7 : i32
        %add3A_306 = arith.addi %mul3A_304, %add3A_305 : i32
        %mul3A_307 = arith.constant 16 : i32
        %mul3A_308 = arith.muli %add3A_306, %mul3A_307 : i32
        %add3A_309 = arith.constant 0 : i32
        %add3A_310 = arith.addi %add3A_309, %mul3A_308 : i32
        %get3A_311 = arith.index_cast %add3A_310 : i32 to index
        %get3A_312 = tpu.vector_load %arg5[%get3A_311] {strides = array<i32>} : memref<16384xi32, #tpu.memory_space<vmem>>, vector<16xi32>,
        %gather3A_313 = tpu.vector_load_idx %arg7[%get3A_312] : memref<50000xf32, #tpu.memory_space<vmem>>[vector<16xi32>], vector<16xf32>,
        %swap3A_314 = arith.index_cast %mul3A_308 : i32 to index
        %swap3A_315 = tpu.vector_load %arg8[%swap3A_314] {strides = array<i32>} : memref<4096xf32, #tpu.memory_space<vmem>>, vector<16xf32>,
        tpu.vector_store %arg8[%swap3A_314], %gather3A_313 {strides = array<i32>} : memref<4096xf32, #tpu.memory_space<vmem>>, vector<16xf32>,
        %scan3A_316 = arith.constant 0 : i32
        scf.yield %scan3A_316 : i32
      }
      %scan3A_142 = arith.constant 32 : i32
      %dma_start3A_143 = arith.constant 0 : i32
      %dma_start3A_144 = tpu.memref_slice %arg4[%add3A_135, %dma_start3A_143] : memref<512x16384xf32, #tpu.memory_space<hbm>> -> memref<1x4096xf32, #tpu.memory_space<hbm>>
      %dma_start3A_145 = tpu.memref_squeeze %dma_start3A_144 : memref<1x4096xf32, #tpu.memory_space<hbm>> -> memref<4096xf32, #tpu.memory_space<hbm>>
      %dma_start3A_146 = arith.constant 0 : i32
      %dma_start3A_147 = tpu.memref_slice %arg4[%add3A_135, %dma_start3A_146] : memref<512x16384xf32, #tpu.memory_space<hbm>> -> memref<1x4096xf32, #tpu.memory_space<hbm>>
      %dma_start3A_148 = tpu.memref_squeeze %dma_start3A_147 : memref<1x4096xf32, #tpu.memory_space<hbm>> -> memref<4096xf32, #tpu.memory_space<hbm>>
      tpu.enqueue_dma source(%arg8 : memref<4096xf32, #tpu.memory_space<vmem>>) target(%dma_start3A_148 : memref<4096xf32, #tpu.memory_space<hbm>>) target_semaphore(%arg12 : memref<!tpu.dma_semaphore, #tpu.memory_space<semaphore_mem>>)
      %scan3A_149 = arith.constant 0 : i32
      %scan3A_150 = arith.constant 0 : i32
      %scan3A_151 = arith.constant 32 : i32
      %scan3A_152 = arith.addi %scan3A_150, %scan3A_151 : i32
      %scan3A_153 = arith.constant 1 : i32
      %scan3A_154 = scf.for %scan3A_213 = %scan3A_150 to %scan3A_152 step %scan3A_153 iter_args(%scan3A_214 = %scan3A_149) -> (i32)  : i32 {
        %mul3A_215 = arith.constant 8 : i32
        %mul3A_216 = arith.muli %scan3A_213, %mul3A_215 : i32
        %add3A_217 = arith.constant 0 : i32
        %add3A_218 = arith.addi %mul3A_216, %add3A_217 : i32
        %mul3A_219 = arith.constant 16 : i32
        %mul3A_220 = arith.muli %add3A_218, %mul3A_219 : i32
        %add3A_221 = arith.constant 4096 : i32
        %add3A_222 = arith.addi %add3A_221, %mul3A_220 : i32
        %get3A = arith.index_cast %add3A_222 : i32 to index
        %get3A_223 = tpu.vector_load %arg5[%get3A] {strides = array<i32>} : memref<16384xi32, #tpu.memory_space<vmem>>, vector<16xi32>,
        %gather3A = tpu.vector_load_idx %arg7[%get3A_223] : memref<50000xf32, #tpu.memory_space<vmem>>[vector<16xi32>], vector<16xf32>,
        %swap3A = arith.index_cast %mul3A_220 : i32 to index
        %swap3A_224 = tpu.vector_load %arg9[%swap3A] {strides = array<i32>} : memref<4096xf32, #tpu.memory_space<vmem>>, vector<16xf32>,
        tpu.vector_store %arg9[%swap3A], %gather3A {strides = array<i32>} : memref<4096xf32, #tpu.memory_space<vmem>>, vector<16xf32>,
        %mul3A_225 = arith.constant 8 : i32
        %mul3A_226 = arith.muli %scan3A_213, %mul3A_225 : i32
        %add3A_227 = arith.constant 1 : i32
        %add3A_228 = arith.addi %mul3A_226, %add3A_227 : i32
        %mul3A_229 = arith.constant 16 : i32
        %mul3A_230 = arith.muli %add3A_228, %mul3A_229 : i32
        %add3A_231 = arith.constant 4096 : i32
        %add3A_232 = arith.addi %add3A_231, %mul3A_230 : i32
        %get3A_233 = arith.index_cast %add3A_232 : i32 to index
        %get3A_234 = tpu.vector_load %arg5[%get3A_233] {strides = array<i32>} : memref<16384xi32, #tpu.memory_space<vmem>>, vector<16xi32>,
        %gather3A_235 = tpu.vector_load_idx %arg7[%get3A_234] : memref<50000xf32, #tpu.memory_space<vmem>>[vector<16xi32>], vector<16xf32>,
        %swap3A_236 = arith.index_cast %mul3A_230 : i32 to index
        %swap3A_237 = tpu.vector_load %arg9[%swap3A_236] {strides = array<i32>} : memref<4096xf32, #tpu.memory_space<vmem>>, vector<16xf32>,
        tpu.vector_store %arg9[%swap3A_236], %gather3A_235 {strides = array<i32>} : memref<4096xf32, #tpu.memory_space<vmem>>, vector<16xf32>,
        %mul3A_238 = arith.constant 8 : i32
        %mul3A_239 = arith.muli %scan3A_213, %mul3A_238 : i32
        %add3A_240 = arith.constant 2 : i32
        %add3A_241 = arith.addi %mul3A_239, %add3A_240 : i32
        %mul3A_242 = arith.constant 16 : i32
        %mul3A_243 = arith.muli %add3A_241, %mul3A_242 : i32
        %add3A_244 = arith.constant 4096 : i32
        %add3A_245 = arith.addi %add3A_244, %mul3A_243 : i32
        %get3A_246 = arith.index_cast %add3A_245 : i32 to index
        %get3A_247 = tpu.vector_load %arg5[%get3A_246] {strides = array<i32>} : memref<16384xi32, #tpu.memory_space<vmem>>, vector<16xi32>,
        %gather3A_248 = tpu.vector_load_idx %arg7[%get3A_247] : memref<50000xf32, #tpu.memory_space<vmem>>[vector<16xi32>], vector<16xf32>,
        %swap3A_249 = arith.index_cast %mul3A_243 : i32 to index
        %swap3A_250 = tpu.vector_load %arg9[%swap3A_249] {strides = array<i32>} : memref<4096xf32, #tpu.memory_space<vmem>>, vector<16xf32>,
        tpu.vector_store %arg9[%swap3A_249], %gather3A_248 {strides = array<i32>} : memref<4096xf32, #tpu.memory_space<vmem>>, vector<16xf32>,
        %mul3A_251 = arith.constant 8 : i32
        %mul3A_252 = arith.muli %scan3A_213, %mul3A_251 : i32
        %add3A_253 = arith.constant 3 : i32
        %add3A_254 = arith.addi %mul3A_252, %add3A_253 : i32
        %mul3A_255 = arith.constant 16 : i32
        %mul3A_256 = arith.muli %add3A_254, %mul3A_255 : i32
        %add3A_257 = arith.constant 4096 : i32
        %add3A_258 = arith.addi %add3A_257, %mul3A_256 : i32
        %get3A_259 = arith.index_cast %add3A_258 : i32 to index
        %get3A_260 = tpu.vector_load %arg5[%get3A_259] {strides = array<i32>} : memref<16384xi32, #tpu.memory_space<vmem>>, vector<16xi32>,
        %gather3A_261 = tpu.vector_load_idx %arg7[%get3A_260] : memref<50000xf32, #tpu.memory_space<vmem>>[vector<16xi32>], vector<16xf32>,
        %swap3A_262 = arith.index_cast %mul3A_256 : i32 to index
        %swap3A_263 = tpu.vector_load %arg9[%swap3A_262] {strides = array<i32>} : memref<4096xf32, #tpu.memory_space<vmem>>, vector<16xf32>,
        tpu.vector_store %arg9[%swap3A_262], %gather3A_261 {strides = array<i32>} : memref<4096xf32, #tpu.memory_space<vmem>>, vector<16xf32>,
        %mul3A_264 = arith.constant 8 : i32
        %mul3A_265 = arith.muli %scan3A_213, %mul3A_264 : i32
        %add3A_266 = arith.constant 4 : i32
        %add3A_267 = arith.addi %mul3A_265, %add3A_266 : i32
        %mul3A_268 = arith.constant 16 : i32
        %mul3A_269 = arith.muli %add3A_267, %mul3A_268 : i32
        %add3A_270 = arith.constant 4096 : i32
        %add3A_271 = arith.addi %add3A_270, %mul3A_269 : i32
        %get3A_272 = arith.index_cast %add3A_271 : i32 to index
        %get3A_273 = tpu.vector_load %arg5[%get3A_272] {strides = array<i32>} : memref<16384xi32, #tpu.memory_space<vmem>>, vector<16xi32>,
        %gather3A_274 = tpu.vector_load_idx %arg7[%get3A_273] : memref<50000xf32, #tpu.memory_space<vmem>>[vector<16xi32>], vector<16xf32>,
        %swap3A_275 = arith.index_cast %mul3A_269 : i32 to index
        %swap3A_276 = tpu.vector_load %arg9[%swap3A_275] {strides = array<i32>} : memref<4096xf32, #tpu.memory_space<vmem>>, vector<16xf32>,
        tpu.vector_store %arg9[%swap3A_275], %gather3A_274 {strides = array<i32>} : memref<4096xf32, #tpu.memory_space<vmem>>, vector<16xf32>,
        %mul3A_277 = arith.constant 8 : i32
        %mul3A_278 = arith.muli %scan3A_213, %mul3A_277 : i32
        %add3A_279 = arith.constant 5 : i32
        %add3A_280 = arith.addi %mul3A_278, %add3A_279 : i32
        %mul3A_281 = arith.constant 16 : i32
        %mul3A_282 = arith.muli %add3A_280, %mul3A_281 : i32
        %add3A_283 = arith.constant 4096 : i32
        %add3A_284 = arith.addi %add3A_283, %mul3A_282 : i32
        %get3A_285 = arith.index_cast %add3A_284 : i32 to index
        %get3A_286 = tpu.vector_load %arg5[%get3A_285] {strides = array<i32>} : memref<16384xi32, #tpu.memory_space<vmem>>, vector<16xi32>,
        %gather3A_287 = tpu.vector_load_idx %arg7[%get3A_286] : memref<50000xf32, #tpu.memory_space<vmem>>[vector<16xi32>], vector<16xf32>,
        %swap3A_288 = arith.index_cast %mul3A_282 : i32 to index
        %swap3A_289 = tpu.vector_load %arg9[%swap3A_288] {strides = array<i32>} : memref<4096xf32, #tpu.memory_space<vmem>>, vector<16xf32>,
        tpu.vector_store %arg9[%swap3A_288], %gather3A_287 {strides = array<i32>} : memref<4096xf32, #tpu.memory_space<vmem>>, vector<16xf32>,
        %mul3A_290 = arith.constant 8 : i32
        %mul3A_291 = arith.muli %scan3A_213, %mul3A_290 : i32
        %add3A_292 = arith.constant 6 : i32
        %add3A_293 = arith.addi %mul3A_291, %add3A_292 : i32
        %mul3A_294 = arith.constant 16 : i32
        %mul3A_295 = arith.muli %add3A_293, %mul3A_294 : i32
        %add3A_296 = arith.constant 4096 : i32
        %add3A_297 = arith.addi %add3A_296, %mul3A_295 : i32
        %get3A_298 = arith.index_cast %add3A_297 : i32 to index
        %get3A_299 = tpu.vector_load %arg5[%get3A_298] {strides = array<i32>} : memref<16384xi32, #tpu.memory_space<vmem>>, vector<16xi32>,
        %gather3A_300 = tpu.vector_load_idx %arg7[%get3A_299] : memref<50000xf32, #tpu.memory_space<vmem>>[vector<16xi32>], vector<16xf32>,
        %swap3A_301 = arith.index_cast %mul3A_295 : i32 to index
        %swap3A_302 = tpu.vector_load %arg9[%swap3A_301] {strides = array<i32>} : memref<4096xf32, #tpu.memory_space<vmem>>, vector<16xf32>,
        tpu.vector_store %arg9[%swap3A_301], %gather3A_300 {strides = array<i32>} : memref<4096xf32, #tpu.memory_space<vmem>>, vector<16xf32>,
        %mul3A_303 = arith.constant 8 : i32
        %mul3A_304 = arith.muli %scan3A_213, %mul3A_303 : i32
        %add3A_305 = arith.constant 7 : i32
        %add3A_306 = arith.addi %mul3A_304, %add3A_305 : i32
        %mul3A_307 = arith.constant 16 : i32
        %mul3A_308 = arith.muli %add3A_306, %mul3A_307 : i32
        %add3A_309 = arith.constant 4096 : i32
        %add3A_310 = arith.addi %add3A_309, %mul3A_308 : i32
        %get3A_311 = arith.index_cast %add3A_310 : i32 to index
        %get3A_312 = tpu.vector_load %arg5[%get3A_311] {strides = array<i32>} : memref<16384xi32, #tpu.memory_space<vmem>>, vector<16xi32>,
        %gather3A_313 = tpu.vector_load_idx %arg7[%get3A_312] : memref<50000xf32, #tpu.memory_space<vmem>>[vector<16xi32>], vector<16xf32>,
        %swap3A_314 = arith.index_cast %mul3A_308 : i32 to index
        %swap3A_315 = tpu.vector_load %arg9[%swap3A_314] {strides = array<i32>} : memref<4096xf32, #tpu.memory_space<vmem>>, vector<16xf32>,
        tpu.vector_store %arg9[%swap3A_314], %gather3A_313 {strides = array<i32>} : memref<4096xf32, #tpu.memory_space<vmem>>, vector<16xf32>,
        %scan3A_316 = arith.constant 0 : i32
        scf.yield %scan3A_316 : i32
      }
      %scan3A_155 = arith.constant 32 : i32
      %dma_start3A_156 = arith.constant 4096 : i32
      %dma_start3A_157 = tpu.memref_slice %arg4[%add3A_135, %dma_start3A_156] : memref<512x16384xf32, #tpu.memory_space<hbm>> -> memref<1x4096xf32, #tpu.memory_space<hbm>>
      %dma_start3A_158 = tpu.memref_squeeze %dma_start3A_157 : memref<1x4096xf32, #tpu.memory_space<hbm>> -> memref<4096xf32, #tpu.memory_space<hbm>>
      %dma_start3A_159 = arith.constant 4096 : i32
      %dma_start3A_160 = tpu.memref_slice %arg4[%add3A_135, %dma_start3A_159] : memref<512x16384xf32, #tpu.memory_space<hbm>> -> memref<1x4096xf32, #tpu.memory_space<hbm>>
      %dma_start3A_161 = tpu.memref_squeeze %dma_start3A_160 : memref<1x4096xf32, #tpu.memory_space<hbm>> -> memref<4096xf32, #tpu.memory_space<hbm>>
      tpu.enqueue_dma source(%arg9 : memref<4096xf32, #tpu.memory_space<vmem>>) target(%dma_start3A_161 : memref<4096xf32, #tpu.memory_space<hbm>>) target_semaphore(%arg12 : memref<!tpu.dma_semaphore, #tpu.memory_space<semaphore_mem>>)
      %dma_wait3A_162 = arith.constant 0 : i32
      %dma_wait3A_163 = tpu.memref_slice %arg4[%add3A_135, %dma_wait3A_162] : memref<512x16384xf32, #tpu.memory_space<hbm>> -> memref<1x4096xf32, #tpu.memory_space<hbm>>
      %dma_wait3A_164 = tpu.memref_squeeze %dma_wait3A_163 : memref<1x4096xf32, #tpu.memory_space<hbm>> -> memref<4096xf32, #tpu.memory_space<hbm>>
      %dma_wait3A_165 = arith.constant 0 : i32
      %dma_wait3A_166 = tpu.memref_slice %arg4[%add3A_135, %dma_wait3A_165] : memref<512x16384xf32, #tpu.memory_space<hbm>> -> memref<1x4096xf32, #tpu.memory_space<hbm>>
      %dma_wait3A_167 = tpu.memref_squeeze %dma_wait3A_166 : memref<1x4096xf32, #tpu.memory_space<hbm>> -> memref<4096xf32, #tpu.memory_space<hbm>>
      tpu.wait_dma2 semaphore(%arg12 : memref<!tpu.dma_semaphore, #tpu.memory_space<semaphore_mem>>) src(%arg8 : memref<4096xf32, #tpu.memory_space<vmem>>) dst(%dma_wait3A_167 : memref<4096xf32, #tpu.memory_space<hbm>>)
      %scan3A_168 = arith.constant 0 : i32
      %scan3A_169 = arith.constant 0 : i32
      %scan3A_170 = arith.constant 32 : i32
      %scan3A_171 = arith.addi %scan3A_169, %scan3A_170 : i32
      %scan3A_172 = arith.constant 1 : i32
      %scan3A_173 = scf.for %scan3A_213 = %scan3A_169 to %scan3A_171 step %scan3A_172 iter_args(%scan3A_214 = %scan3A_168) -> (i32)  : i32 {
        %mul3A_215 = arith.constant 8 : i32
        %mul3A_216 = arith.muli %scan3A_213, %mul3A_215 : i32
        %add3A_217 = arith.constant 0 : i32
        %add3A_218 = arith.addi %mul3A_216, %add3A_217 : i32
        %mul3A_219 = arith.constant 16 : i32
        %mul3A_220 = arith.muli %add3A_218, %mul3A_219 : i32
        %add3A_221 = arith.constant 8192 : i32
        %add3A_222 = arith.addi %add3A_221, %mul3A_220 : i32
        %get3A = arith.index_cast %add3A_222 : i32 to index
        %get3A_223 = tpu.vector_load %arg5[%get3A] {strides = array<i32>} : memref<16384xi32, #tpu.memory_space<vmem>>, vector<16xi32>,
        %gather3A = tpu.vector_load_idx %arg7[%get3A_223] : memref<50000xf32, #tpu.memory_space<vmem>>[vector<16xi32>], vector<16xf32>,
        %swap3A = arith.index_cast %mul3A_220 : i32 to index
        %swap3A_224 = tpu.vector_load %arg8[%swap3A] {strides = array<i32>} : memref<4096xf32, #tpu.memory_space<vmem>>, vector<16xf32>,
        tpu.vector_store %arg8[%swap3A], %gather3A {strides = array<i32>} : memref<4096xf32, #tpu.memory_space<vmem>>, vector<16xf32>,
        %mul3A_225 = arith.constant 8 : i32
        %mul3A_226 = arith.muli %scan3A_213, %mul3A_225 : i32
        %add3A_227 = arith.constant 1 : i32
        %add3A_228 = arith.addi %mul3A_226, %add3A_227 : i32
        %mul3A_229 = arith.constant 16 : i32
        %mul3A_230 = arith.muli %add3A_228, %mul3A_229 : i32
        %add3A_231 = arith.constant 8192 : i32
        %add3A_232 = arith.addi %add3A_231, %mul3A_230 : i32
        %get3A_233 = arith.index_cast %add3A_232 : i32 to index
        %get3A_234 = tpu.vector_load %arg5[%get3A_233] {strides = array<i32>} : memref<16384xi32, #tpu.memory_space<vmem>>, vector<16xi32>,
        %gather3A_235 = tpu.vector_load_idx %arg7[%get3A_234] : memref<50000xf32, #tpu.memory_space<vmem>>[vector<16xi32>], vector<16xf32>,
        %swap3A_236 = arith.index_cast %mul3A_230 : i32 to index
        %swap3A_237 = tpu.vector_load %arg8[%swap3A_236] {strides = array<i32>} : memref<4096xf32, #tpu.memory_space<vmem>>, vector<16xf32>,
        tpu.vector_store %arg8[%swap3A_236], %gather3A_235 {strides = array<i32>} : memref<4096xf32, #tpu.memory_space<vmem>>, vector<16xf32>,
        %mul3A_238 = arith.constant 8 : i32
        %mul3A_239 = arith.muli %scan3A_213, %mul3A_238 : i32
        %add3A_240 = arith.constant 2 : i32
        %add3A_241 = arith.addi %mul3A_239, %add3A_240 : i32
        %mul3A_242 = arith.constant 16 : i32
        %mul3A_243 = arith.muli %add3A_241, %mul3A_242 : i32
        %add3A_244 = arith.constant 8192 : i32
        %add3A_245 = arith.addi %add3A_244, %mul3A_243 : i32
        %get3A_246 = arith.index_cast %add3A_245 : i32 to index
        %get3A_247 = tpu.vector_load %arg5[%get3A_246] {strides = array<i32>} : memref<16384xi32, #tpu.memory_space<vmem>>, vector<16xi32>,
        %gather3A_248 = tpu.vector_load_idx %arg7[%get3A_247] : memref<50000xf32, #tpu.memory_space<vmem>>[vector<16xi32>], vector<16xf32>,
        %swap3A_249 = arith.index_cast %mul3A_243 : i32 to index
        %swap3A_250 = tpu.vector_load %arg8[%swap3A_249] {strides = array<i32>} : memref<4096xf32, #tpu.memory_space<vmem>>, vector<16xf32>,
        tpu.vector_store %arg8[%swap3A_249], %gather3A_248 {strides = array<i32>} : memref<4096xf32, #tpu.memory_space<vmem>>, vector<16xf32>,
        %mul3A_251 = arith.constant 8 : i32
        %mul3A_252 = arith.muli %scan3A_213, %mul3A_251 : i32
        %add3A_253 = arith.constant 3 : i32
        %add3A_254 = arith.addi %mul3A_252, %add3A_253 : i32
        %mul3A_255 = arith.constant 16 : i32
        %mul3A_256 = arith.muli %add3A_254, %mul3A_255 : i32
        %add3A_257 = arith.constant 8192 : i32
        %add3A_258 = arith.addi %add3A_257, %mul3A_256 : i32
        %get3A_259 = arith.index_cast %add3A_258 : i32 to index
        %get3A_260 = tpu.vector_load %arg5[%get3A_259] {strides = array<i32>} : memref<16384xi32, #tpu.memory_space<vmem>>, vector<16xi32>,
        %gather3A_261 = tpu.vector_load_idx %arg7[%get3A_260] : memref<50000xf32, #tpu.memory_space<vmem>>[vector<16xi32>], vector<16xf32>,
        %swap3A_262 = arith.index_cast %mul3A_256 : i32 to index
        %swap3A_263 = tpu.vector_load %arg8[%swap3A_262] {strides = array<i32>} : memref<4096xf32, #tpu.memory_space<vmem>>, vector<16xf32>,
        tpu.vector_store %arg8[%swap3A_262], %gather3A_261 {strides = array<i32>} : memref<4096xf32, #tpu.memory_space<vmem>>, vector<16xf32>,
        %mul3A_264 = arith.constant 8 : i32
        %mul3A_265 = arith.muli %scan3A_213, %mul3A_264 : i32
        %add3A_266 = arith.constant 4 : i32
        %add3A_267 = arith.addi %mul3A_265, %add3A_266 : i32
        %mul3A_268 = arith.constant 16 : i32
        %mul3A_269 = arith.muli %add3A_267, %mul3A_268 : i32
        %add3A_270 = arith.constant 8192 : i32
        %add3A_271 = arith.addi %add3A_270, %mul3A_269 : i32
        %get3A_272 = arith.index_cast %add3A_271 : i32 to index
        %get3A_273 = tpu.vector_load %arg5[%get3A_272] {strides = array<i32>} : memref<16384xi32, #tpu.memory_space<vmem>>, vector<16xi32>,
        %gather3A_274 = tpu.vector_load_idx %arg7[%get3A_273] : memref<50000xf32, #tpu.memory_space<vmem>>[vector<16xi32>], vector<16xf32>,
        %swap3A_275 = arith.index_cast %mul3A_269 : i32 to index
        %swap3A_276 = tpu.vector_load %arg8[%swap3A_275] {strides = array<i32>} : memref<4096xf32, #tpu.memory_space<vmem>>, vector<16xf32>,
        tpu.vector_store %arg8[%swap3A_275], %gather3A_274 {strides = array<i32>} : memref<4096xf32, #tpu.memory_space<vmem>>, vector<16xf32>,
        %mul3A_277 = arith.constant 8 : i32
        %mul3A_278 = arith.muli %scan3A_213, %mul3A_277 : i32
        %add3A_279 = arith.constant 5 : i32
        %add3A_280 = arith.addi %mul3A_278, %add3A_279 : i32
        %mul3A_281 = arith.constant 16 : i32
        %mul3A_282 = arith.muli %add3A_280, %mul3A_281 : i32
        %add3A_283 = arith.constant 8192 : i32
        %add3A_284 = arith.addi %add3A_283, %mul3A_282 : i32
        %get3A_285 = arith.index_cast %add3A_284 : i32 to index
        %get3A_286 = tpu.vector_load %arg5[%get3A_285] {strides = array<i32>} : memref<16384xi32, #tpu.memory_space<vmem>>, vector<16xi32>,
        %gather3A_287 = tpu.vector_load_idx %arg7[%get3A_286] : memref<50000xf32, #tpu.memory_space<vmem>>[vector<16xi32>], vector<16xf32>,
        %swap3A_288 = arith.index_cast %mul3A_282 : i32 to index
        %swap3A_289 = tpu.vector_load %arg8[%swap3A_288] {strides = array<i32>} : memref<4096xf32, #tpu.memory_space<vmem>>, vector<16xf32>,
        tpu.vector_store %arg8[%swap3A_288], %gather3A_287 {strides = array<i32>} : memref<4096xf32, #tpu.memory_space<vmem>>, vector<16xf32>,
        %mul3A_290 = arith.constant 8 : i32
        %mul3A_291 = arith.muli %scan3A_213, %mul3A_290 : i32
        %add3A_292 = arith.constant 6 : i32
        %add3A_293 = arith.addi %mul3A_291, %add3A_292 : i32
        %mul3A_294 = arith.constant 16 : i32
        %mul3A_295 = arith.muli %add3A_293, %mul3A_294 : i32
        %add3A_296 = arith.constant 8192 : i32
        %add3A_297 = arith.addi %add3A_296, %mul3A_295 : i32
        %get3A_298 = arith.index_cast %add3A_297 : i32 to index
        %get3A_299 = tpu.vector_load %arg5[%get3A_298] {strides = array<i32>} : memref<16384xi32, #tpu.memory_space<vmem>>, vector<16xi32>,
        %gather3A_300 = tpu.vector_load_idx %arg7[%get3A_299] : memref<50000xf32, #tpu.memory_space<vmem>>[vector<16xi32>], vector<16xf32>,
        %swap3A_301 = arith.index_cast %mul3A_295 : i32 to index
        %swap3A_302 = tpu.vector_load %arg8[%swap3A_301] {strides = array<i32>} : memref<4096xf32, #tpu.memory_space<vmem>>, vector<16xf32>,
        tpu.vector_store %arg8[%swap3A_301], %gather3A_300 {strides = array<i32>} : memref<4096xf32, #tpu.memory_space<vmem>>, vector<16xf32>,
        %mul3A_303 = arith.constant 8 : i32
        %mul3A_304 = arith.muli %scan3A_213, %mul3A_303 : i32
        %add3A_305 = arith.constant 7 : i32
        %add3A_306 = arith.addi %mul3A_304, %add3A_305 : i32
        %mul3A_307 = arith.constant 16 : i32
        %mul3A_308 = arith.muli %add3A_306, %mul3A_307 : i32
        %add3A_309 = arith.constant 8192 : i32
        %add3A_310 = arith.addi %add3A_309, %mul3A_308 : i32
        %get3A_311 = arith.index_cast %add3A_310 : i32 to index
        %get3A_312 = tpu.vector_load %arg5[%get3A_311] {strides = array<i32>} : memref<16384xi32, #tpu.memory_space<vmem>>, vector<16xi32>,
        %gather3A_313 = tpu.vector_load_idx %arg7[%get3A_312] : memref<50000xf32, #tpu.memory_space<vmem>>[vector<16xi32>], vector<16xf32>,
        %swap3A_314 = arith.index_cast %mul3A_308 : i32 to index
        %swap3A_315 = tpu.vector_load %arg8[%swap3A_314] {strides = array<i32>} : memref<4096xf32, #tpu.memory_space<vmem>>, vector<16xf32>,
        tpu.vector_store %arg8[%swap3A_314], %gather3A_313 {strides = array<i32>} : memref<4096xf32, #tpu.memory_space<vmem>>, vector<16xf32>,
        %scan3A_316 = arith.constant 0 : i32
        scf.yield %scan3A_316 : i32
      }
      %scan3A_174 = arith.constant 32 : i32
      %dma_start3A_175 = arith.constant 8192 : i32
      %dma_start3A_176 = tpu.memref_slice %arg4[%add3A_135, %dma_start3A_175] : memref<512x16384xf32, #tpu.memory_space<hbm>> -> memref<1x4096xf32, #tpu.memory_space<hbm>>
      %dma_start3A_177 = tpu.memref_squeeze %dma_start3A_176 : memref<1x4096xf32, #tpu.memory_space<hbm>> -> memref<4096xf32, #tpu.memory_space<hbm>>
      %dma_start3A_178 = arith.constant 8192 : i32
      %dma_start3A_179 = tpu.memref_slice %arg4[%add3A_135, %dma_start3A_178] : memref<512x16384xf32, #tpu.memory_space<hbm>> -> memref<1x4096xf32, #tpu.memory_space<hbm>>
      %dma_start3A_180 = tpu.memref_squeeze %dma_start3A_179 : memref<1x4096xf32, #tpu.memory_space<hbm>> -> memref<4096xf32, #tpu.memory_space<hbm>>
      tpu.enqueue_dma source(%arg8 : memref<4096xf32, #tpu.memory_space<vmem>>) target(%dma_start3A_180 : memref<4096xf32, #tpu.memory_space<hbm>>) target_semaphore(%arg12 : memref<!tpu.dma_semaphore, #tpu.memory_space<semaphore_mem>>)
      %dma_wait3A_181 = arith.constant 4096 : i32
      %dma_wait3A_182 = tpu.memref_slice %arg4[%add3A_135, %dma_wait3A_181] : memref<512x16384xf32, #tpu.memory_space<hbm>> -> memref<1x4096xf32, #tpu.memory_space<hbm>>
      %dma_wait3A_183 = tpu.memref_squeeze %dma_wait3A_182 : memref<1x4096xf32, #tpu.memory_space<hbm>> -> memref<4096xf32, #tpu.memory_space<hbm>>
      %dma_wait3A_184 = arith.constant 4096 : i32
      %dma_wait3A_185 = tpu.memref_slice %arg4[%add3A_135, %dma_wait3A_184] : memref<512x16384xf32, #tpu.memory_space<hbm>> -> memref<1x4096xf32, #tpu.memory_space<hbm>>
      %dma_wait3A_186 = tpu.memref_squeeze %dma_wait3A_185 : memref<1x4096xf32, #tpu.memory_space<hbm>> -> memref<4096xf32, #tpu.memory_space<hbm>>
      tpu.wait_dma2 semaphore(%arg12 : memref<!tpu.dma_semaphore, #tpu.memory_space<semaphore_mem>>) src(%arg9 : memref<4096xf32, #tpu.memory_space<vmem>>) dst(%dma_wait3A_186 : memref<4096xf32, #tpu.memory_space<hbm>>)
      %scan3A_187 = arith.constant 0 : i32
      %scan3A_188 = arith.constant 0 : i32
      %scan3A_189 = arith.constant 32 : i32
      %scan3A_190 = arith.addi %scan3A_188, %scan3A_189 : i32
      %scan3A_191 = arith.constant 1 : i32
      %scan3A_192 = scf.for %scan3A_213 = %scan3A_188 to %scan3A_190 step %scan3A_191 iter_args(%scan3A_214 = %scan3A_187) -> (i32)  : i32 {
        %mul3A_215 = arith.constant 8 : i32
        %mul3A_216 = arith.muli %scan3A_213, %mul3A_215 : i32
        %add3A_217 = arith.constant 0 : i32
        %add3A_218 = arith.addi %mul3A_216, %add3A_217 : i32
        %mul3A_219 = arith.constant 16 : i32
        %mul3A_220 = arith.muli %add3A_218, %mul3A_219 : i32
        %add3A_221 = arith.constant 12288 : i32
        %add3A_222 = arith.addi %add3A_221, %mul3A_220 : i32
        %get3A = arith.index_cast %add3A_222 : i32 to index
        %get3A_223 = tpu.vector_load %arg5[%get3A] {strides = array<i32>} : memref<16384xi32, #tpu.memory_space<vmem>>, vector<16xi32>,
        %gather3A = tpu.vector_load_idx %arg7[%get3A_223] : memref<50000xf32, #tpu.memory_space<vmem>>[vector<16xi32>], vector<16xf32>,
        %swap3A = arith.index_cast %mul3A_220 : i32 to index
        %swap3A_224 = tpu.vector_load %arg9[%swap3A] {strides = array<i32>} : memref<4096xf32, #tpu.memory_space<vmem>>, vector<16xf32>,
        tpu.vector_store %arg9[%swap3A], %gather3A {strides = array<i32>} : memref<4096xf32, #tpu.memory_space<vmem>>, vector<16xf32>,
        %mul3A_225 = arith.constant 8 : i32
        %mul3A_226 = arith.muli %scan3A_213, %mul3A_225 : i32
        %add3A_227 = arith.constant 1 : i32
        %add3A_228 = arith.addi %mul3A_226, %add3A_227 : i32
        %mul3A_229 = arith.constant 16 : i32
        %mul3A_230 = arith.muli %add3A_228, %mul3A_229 : i32
        %add3A_231 = arith.constant 12288 : i32
        %add3A_232 = arith.addi %add3A_231, %mul3A_230 : i32
        %get3A_233 = arith.index_cast %add3A_232 : i32 to index
        %get3A_234 = tpu.vector_load %arg5[%get3A_233] {strides = array<i32>} : memref<16384xi32, #tpu.memory_space<vmem>>, vector<16xi32>,
        %gather3A_235 = tpu.vector_load_idx %arg7[%get3A_234] : memref<50000xf32, #tpu.memory_space<vmem>>[vector<16xi32>], vector<16xf32>,
        %swap3A_236 = arith.index_cast %mul3A_230 : i32 to index
        %swap3A_237 = tpu.vector_load %arg9[%swap3A_236] {strides = array<i32>} : memref<4096xf32, #tpu.memory_space<vmem>>, vector<16xf32>,
        tpu.vector_store %arg9[%swap3A_236], %gather3A_235 {strides = array<i32>} : memref<4096xf32, #tpu.memory_space<vmem>>, vector<16xf32>,
        %mul3A_238 = arith.constant 8 : i32
        %mul3A_239 = arith.muli %scan3A_213, %mul3A_238 : i32
        %add3A_240 = arith.constant 2 : i32
        %add3A_241 = arith.addi %mul3A_239, %add3A_240 : i32
        %mul3A_242 = arith.constant 16 : i32
        %mul3A_243 = arith.muli %add3A_241, %mul3A_242 : i32
        %add3A_244 = arith.constant 12288 : i32
        %add3A_245 = arith.addi %add3A_244, %mul3A_243 : i32
        %get3A_246 = arith.index_cast %add3A_245 : i32 to index
        %get3A_247 = tpu.vector_load %arg5[%get3A_246] {strides = array<i32>} : memref<16384xi32, #tpu.memory_space<vmem>>, vector<16xi32>,
        %gather3A_248 = tpu.vector_load_idx %arg7[%get3A_247] : memref<50000xf32, #tpu.memory_space<vmem>>[vector<16xi32>], vector<16xf32>,
        %swap3A_249 = arith.index_cast %mul3A_243 : i32 to index
        %swap3A_250 = tpu.vector_load %arg9[%swap3A_249] {strides = array<i32>} : memref<4096xf32, #tpu.memory_space<vmem>>, vector<16xf32>,
        tpu.vector_store %arg9[%swap3A_249], %gather3A_248 {strides = array<i32>} : memref<4096xf32, #tpu.memory_space<vmem>>, vector<16xf32>,
        %mul3A_251 = arith.constant 8 : i32
        %mul3A_252 = arith.muli %scan3A_213, %mul3A_251 : i32
        %add3A_253 = arith.constant 3 : i32
        %add3A_254 = arith.addi %mul3A_252, %add3A_253 : i32
        %mul3A_255 = arith.constant 16 : i32
        %mul3A_256 = arith.muli %add3A_254, %mul3A_255 : i32
        %add3A_257 = arith.constant 12288 : i32
        %add3A_258 = arith.addi %add3A_257, %mul3A_256 : i32
        %get3A_259 = arith.index_cast %add3A_258 : i32 to index
        %get3A_260 = tpu.vector_load %arg5[%get3A_259] {strides = array<i32>} : memref<16384xi32, #tpu.memory_space<vmem>>, vector<16xi32>,
        %gather3A_261 = tpu.vector_load_idx %arg7[%get3A_260] : memref<50000xf32, #tpu.memory_space<vmem>>[vector<16xi32>], vector<16xf32>,
        %swap3A_262 = arith.index_cast %mul3A_256 : i32 to index
        %swap3A_263 = tpu.vector_load %arg9[%swap3A_262] {strides = array<i32>} : memref<4096xf32, #tpu.memory_space<vmem>>, vector<16xf32>,
        tpu.vector_store %arg9[%swap3A_262], %gather3A_261 {strides = array<i32>} : memref<4096xf32, #tpu.memory_space<vmem>>, vector<16xf32>,
        %mul3A_264 = arith.constant 8 : i32
        %mul3A_265 = arith.muli %scan3A_213, %mul3A_264 : i32
        %add3A_266 = arith.constant 4 : i32
        %add3A_267 = arith.addi %mul3A_265, %add3A_266 : i32
        %mul3A_268 = arith.constant 16 : i32
        %mul3A_269 = arith.muli %add3A_267, %mul3A_268 : i32
        %add3A_270 = arith.constant 12288 : i32
        %add3A_271 = arith.addi %add3A_270, %mul3A_269 : i32
        %get3A_272 = arith.index_cast %add3A_271 : i32 to index
        %get3A_273 = tpu.vector_load %arg5[%get3A_272] {strides = array<i32>} : memref<16384xi32, #tpu.memory_space<vmem>>, vector<16xi32>,
        %gather3A_274 = tpu.vector_load_idx %arg7[%get3A_273] : memref<50000xf32, #tpu.memory_space<vmem>>[vector<16xi32>], vector<16xf32>,
        %swap3A_275 = arith.index_cast %mul3A_269 : i32 to index
        %swap3A_276 = tpu.vector_load %arg9[%swap3A_275] {strides = array<i32>} : memref<4096xf32, #tpu.memory_space<vmem>>, vector<16xf32>,
        tpu.vector_store %arg9[%swap3A_275], %gather3A_274 {strides = array<i32>} : memref<4096xf32, #tpu.memory_space<vmem>>, vector<16xf32>,
        %mul3A_277 = arith.constant 8 : i32
        %mul3A_278 = arith.muli %scan3A_213, %mul3A_277 : i32
        %add3A_279 = arith.constant 5 : i32
        %add3A_280 = arith.addi %mul3A_278, %add3A_279 : i32
        %mul3A_281 = arith.constant 16 : i32
        %mul3A_282 = arith.muli %add3A_280, %mul3A_281 : i32
        %add3A_283 = arith.constant 12288 : i32
        %add3A_284 = arith.addi %add3A_283, %mul3A_282 : i32
        %get3A_285 = arith.index_cast %add3A_284 : i32 to index
        %get3A_286 = tpu.vector_load %arg5[%get3A_285] {strides = array<i32>} : memref<16384xi32, #tpu.memory_space<vmem>>, vector<16xi32>,
        %gather3A_287 = tpu.vector_load_idx %arg7[%get3A_286] : memref<50000xf32, #tpu.memory_space<vmem>>[vector<16xi32>], vector<16xf32>,
        %swap3A_288 = arith.index_cast %mul3A_282 : i32 to index
        %swap3A_289 = tpu.vector_load %arg9[%swap3A_288] {strides = array<i32>} : memref<4096xf32, #tpu.memory_space<vmem>>, vector<16xf32>,
        tpu.vector_store %arg9[%swap3A_288], %gather3A_287 {strides = array<i32>} : memref<4096xf32, #tpu.memory_space<vmem>>, vector<16xf32>,
        %mul3A_290 = arith.constant 8 : i32
        %mul3A_291 = arith.muli %scan3A_213, %mul3A_290 : i32
        %add3A_292 = arith.constant 6 : i32
        %add3A_293 = arith.addi %mul3A_291, %add3A_292 : i32
        %mul3A_294 = arith.constant 16 : i32
        %mul3A_295 = arith.muli %add3A_293, %mul3A_294 : i32
        %add3A_296 = arith.constant 12288 : i32
        %add3A_297 = arith.addi %add3A_296, %mul3A_295 : i32
        %get3A_298 = arith.index_cast %add3A_297 : i32 to index
        %get3A_299 = tpu.vector_load %arg5[%get3A_298] {strides = array<i32>} : memref<16384xi32, #tpu.memory_space<vmem>>, vector<16xi32>,
        %gather3A_300 = tpu.vector_load_idx %arg7[%get3A_299] : memref<50000xf32, #tpu.memory_space<vmem>>[vector<16xi32>], vector<16xf32>,
        %swap3A_301 = arith.index_cast %mul3A_295 : i32 to index
        %swap3A_302 = tpu.vector_load %arg9[%swap3A_301] {strides = array<i32>} : memref<4096xf32, #tpu.memory_space<vmem>>, vector<16xf32>,
        tpu.vector_store %arg9[%swap3A_301], %gather3A_300 {strides = array<i32>} : memref<4096xf32, #tpu.memory_space<vmem>>, vector<16xf32>,
        %mul3A_303 = arith.constant 8 : i32
        %mul3A_304 = arith.muli %scan3A_213, %mul3A_303 : i32
        %add3A_305 = arith.constant 7 : i32
        %add3A_306 = arith.addi %mul3A_304, %add3A_305 : i32
        %mul3A_307 = arith.constant 16 : i32
        %mul3A_308 = arith.muli %add3A_306, %mul3A_307 : i32
        %add3A_309 = arith.constant 12288 : i32
        %add3A_310 = arith.addi %add3A_309, %mul3A_308 : i32
        %get3A_311 = arith.index_cast %add3A_310 : i32 to index
        %get3A_312 = tpu.vector_load %arg5[%get3A_311] {strides = array<i32>} : memref<16384xi32, #tpu.memory_space<vmem>>, vector<16xi32>,
        %gather3A_313 = tpu.vector_load_idx %arg7[%get3A_312] : memref<50000xf32, #tpu.memory_space<vmem>>[vector<16xi32>], vector<16xf32>,
        %swap3A_314 = arith.index_cast %mul3A_308 : i32 to index
        %swap3A_315 = tpu.vector_load %arg9[%swap3A_314] {strides = array<i32>} : memref<4096xf32, #tpu.memory_space<vmem>>, vector<16xf32>,
        tpu.vector_store %arg9[%swap3A_314], %gather3A_313 {strides = array<i32>} : memref<4096xf32, #tpu.memory_space<vmem>>, vector<16xf32>,
        %scan3A_316 = arith.constant 0 : i32
        scf.yield %scan3A_316 : i32
      }
      %scan3A_193 = arith.constant 32 : i32
      %dma_start3A_194 = arith.constant 12288 : i32
      %dma_start3A_195 = tpu.memref_slice %arg4[%add3A_135, %dma_start3A_194] : memref<512x16384xf32, #tpu.memory_space<hbm>> -> memref<1x4096xf32, #tpu.memory_space<hbm>>
      %dma_start3A_196 = tpu.memref_squeeze %dma_start3A_195 : memref<1x4096xf32, #tpu.memory_space<hbm>> -> memref<4096xf32, #tpu.memory_space<hbm>>
      %dma_start3A_197 = arith.constant 12288 : i32
      %dma_start3A_198 = tpu.memref_slice %arg4[%add3A_135, %dma_start3A_197] : memref<512x16384xf32, #tpu.memory_space<hbm>> -> memref<1x4096xf32, #tpu.memory_space<hbm>>
      %dma_start3A_199 = tpu.memref_squeeze %dma_start3A_198 : memref<1x4096xf32, #tpu.memory_space<hbm>> -> memref<4096xf32, #tpu.memory_space<hbm>>
      tpu.enqueue_dma source(%arg9 : memref<4096xf32, #tpu.memory_space<vmem>>) target(%dma_start3A_199 : memref<4096xf32, #tpu.memory_space<hbm>>) target_semaphore(%arg12 : memref<!tpu.dma_semaphore, #tpu.memory_space<semaphore_mem>>)
      %dma_wait3A_200 = arith.constant 8192 : i32
      %dma_wait3A_201 = tpu.memref_slice %arg4[%add3A_135, %dma_wait3A_200] : memref<512x16384xf32, #tpu.memory_space<hbm>> -> memref<1x4096xf32, #tpu.memory_space<hbm>>
      %dma_wait3A_202 = tpu.memref_squeeze %dma_wait3A_201 : memref<1x4096xf32, #tpu.memory_space<hbm>> -> memref<4096xf32, #tpu.memory_space<hbm>>
      %dma_wait3A_203 = arith.constant 8192 : i32
      %dma_wait3A_204 = tpu.memref_slice %arg4[%add3A_135, %dma_wait3A_203] : memref<512x16384xf32, #tpu.memory_space<hbm>> -> memref<1x4096xf32, #tpu.memory_space<hbm>>
      %dma_wait3A_205 = tpu.memref_squeeze %dma_wait3A_204 : memref<1x4096xf32, #tpu.memory_space<hbm>> -> memref<4096xf32, #tpu.memory_space<hbm>>
      tpu.wait_dma2 semaphore(%arg12 : memref<!tpu.dma_semaphore, #tpu.memory_space<semaphore_mem>>) src(%arg8 : memref<4096xf32, #tpu.memory_space<vmem>>) dst(%dma_wait3A_205 : memref<4096xf32, #tpu.memory_space<hbm>>)
      %dma_wait3A_206 = arith.constant 12288 : i32
      %dma_wait3A_207 = tpu.memref_slice %arg4[%add3A_135, %dma_wait3A_206] : memref<512x16384xf32, #tpu.memory_space<hbm>> -> memref<1x4096xf32, #tpu.memory_space<hbm>>
      %dma_wait3A_208 = tpu.memref_squeeze %dma_wait3A_207 : memref<1x4096xf32, #tpu.memory_space<hbm>> -> memref<4096xf32, #tpu.memory_space<hbm>>
      %dma_wait3A_209 = arith.constant 12288 : i32
      %dma_wait3A_210 = tpu.memref_slice %arg4[%add3A_135, %dma_wait3A_209] : memref<512x16384xf32, #tpu.memory_space<hbm>> -> memref<1x4096xf32, #tpu.memory_space<hbm>>
      %dma_wait3A_211 = tpu.memref_squeeze %dma_wait3A_210 : memref<1x4096xf32, #tpu.memory_space<hbm>> -> memref<4096xf32, #tpu.memory_space<hbm>>
      tpu.wait_dma2 semaphore(%arg12 : memref<!tpu.dma_semaphore, #tpu.memory_space<semaphore_mem>>) src(%arg9 : memref<4096xf32, #tpu.memory_space<vmem>>) dst(%dma_wait3A_211 : memref<4096xf32, #tpu.memory_space<hbm>>)
      %scan3A_212 = arith.constant 0 : i32
      scf.yield %scan3A_212 : i32
    }
    %scan3A_29 = arith.constant 8 : i32
    return
  }
}

</mosaic_0001>

<sc_bundles>
// kernel: kernel.3.cloned.1.call-start
scs
__scs_entry_jumppad:
0x0: {  	(pc) =	sbr.rel $0x88, $3  }
0x1: {  	(tag) =	ssettag $0x0;
	lr =	simm.s32 $0x1  }
0x2: {  	[smem:$0x3F9F] =	sst lr;
	_ =	strace $0xD0000000  }
0x3: {  	_ = 	snop  }
0x4: {  	_ = 	snop  }
0x5: {  	_ = 	snop  }
0x6: {  	_ = 	snop  }
0x7: {  	_ = 	snop  }
__scs_overlays_trampoline_lowered:
0x8: {  	[smem:$0x3FAE] =	sst s0  }
0x9: {  	[smem:$0x3FAF] =	sst s1  }
0xa: {  	[smem:$0x3FB0] =	sst s2  }
0xb: {  	[smem:$0x3FB1] =	sst s3  }
0xc: {  	[smem:$0x3FB2] =	sst s4  }
0xd: {  	[smem:$0x3FB3] =	sst s5  }
0xe: {  	[smem:$0x3FB4] =	sst s6  }
0xf: {  	[smem:$0x3FB5] =	sst s7  }
0x10: {  	[smem:$0x3FB6] =	sst s8  }
0x11: {  	[smem:$0x3FB7] =	sst s9;
	s0 =	simm.s32 @!p0 $0x0  }
0x12: {  	s1 =	sld [smem:$0x3F9D];
	s0 =	simm.s32 @p0 $0x1  }
0x13: {  	[smem:$0x3FB8] =	sst s0;
	s0 =	simm.s32 @!p1 $0x0  }
0x14: {  	s2 =	sld [smem:$0x3F9C];
	s0 =	simm.s32 @p1 $0x1  }
0x15: {  	[smem:$0x3FB9] =	sst s0;
	s0 =	simm.s32 @!p2 $0x0  }
0x16: {  	s3 =	sld [smem:$0x3FDB];
	s0 =	simm.s32 @p2 $0x1  }
0x17: {  	s4 =	simm.s32 $0x1BF5;
	[smem:$0x3FBB] =	sst s0  }
0x18: {  	s0 =	sld [smem:$0x3F9E];
	_ =	swait.ge [sflag:s4], $0x0  }
0x19: {  	s7 =	sld [smem:$0x3F9F]  }
0x1a: {  	s8 =	sadd.s32 $0xFFFFE003, lr  }
0x1b: {  	s9 =	sadd.s32 $0xFFFFFEF7, lr;
	s5 =	simm.s32 $0xFFFFFFFF;
	p2 =	slt.u32 s8, $0xFFFFF086  }
0x1c: {  	p1 =	slt.u32 s9, $0xF7A;
	s5 =	simm.s32 @!p2 $0x0  }
0x1d: {  	s5 =	simm.s32 @p1 $0x1;
	p0 =	seq.s32 s7, s2  }
0x1e: {  	s7 =	smul.u32 @!p0 $0xF7A, s2;
	p2 =	seq.s32 @!p0 s5, $0x0  }
0x1f: {  	s9 =	smul.u32 $0xF7A, s1;
	s8 =	simm.s32 @!p0 $0x1BF5;
	p2 =	por !p2, p0  }
0x20: {  	[sflag:s8] =	ssyncset.s32 @!p0 $0xFFFFF086;
	s6 =	sadd.s32 @!p0 s3, s7;
	s7 =	simm.s32 @!p0 $0x108  }
0x21: {  	s3 =	sadd.s32 s3, s9;
	s6 =	sadd.s32 @!p0 $0x88, s6;
	s7 =	simm.s32 @p2 $0x1082  }
0x22: {  	[simem:s7], [sflag:s8] =	dma.local @!p0 [hbm:s6], $0xF7A  }
0x23: {  	s9 =	sor.u32 $0xD0000000, s2;
	s6 =	simm.s32 $0x108;
	_ =	swait.ge @!p0 [sflag:s8], $0x0  }
0x24: {  	s3 =	sadd.s32 $0x88, s3;
	s6 =	simm.s32 @!p1 $0x1082;
	[sflag:s4] =	ssyncset.s32 $0xFFFFF086  }
0x25: {  	[simem:s6], [sflag:s4] =	dma.local [hbm:s3], $0xF7A  }
0x26: {  	[smem:$0x3F9F] =	sst s1;
	(tag) =	ssettag s2;
	_ =	strace s9  }
0x27: {  	s1 =	sld [smem:$0x3FAF]  }
0x28: {  	s2 =	sld [smem:$0x3FB0]  }
0x29: {  	s4 =	sld [smem:$0x3FB2]  }
0x2a: {  	p0 =	seq.s32 s5, $0x0;
	s5 =	sld [smem:$0x3FB3]  }
0x2b: {  	s6 =	sld [smem:$0x3FB4]  }
0x2c: {  	s7 =	sld [smem:$0x3FB5]  }
0x2d: {  	s3 =	simm.s32 $0x108;
	s8 =	sld [smem:$0x3FB6]  }
0x2e: {  	s3 =	simm.s32 @!p0 $0x1082;
	s9 =	sld [smem:$0x3FB7]  }
0x2f: {  	lr =	sadd.s32 s0, s3;
	s0 =	sld [smem:$0x3FAE]  }
0x30: {  	s3 =	sld [smem:$0x3FB1]  }
0x31: {  	[smem:$0x3FBA] =	sst s10  }
0x32: {  	s10 =	sld [smem:$0x3FB8];
	_ =	sdelay $0x3  }
0x33: {  	p0 =	seq.s32 s10, $0x1;
	s10 =	sld [smem:$0x3FBA];
	_ =	sdelay $0x3  }
0x34: {  	[smem:$0x3FBA] =	sst s10  }
0x35: {  	s10 =	sld [smem:$0x3FB9];
	_ =	sdelay $0x3  }
0x36: {  	p1 =	seq.s32 s10, $0x1;
	s10 =	sld [smem:$0x3FBA];
	_ =	sdelay $0x3  }
0x37: {  	[smem:$0x3FBA] =	sst s10  }
0x38: {  	s10 =	sld [smem:$0x3FBB]  }
0x39: {  	_ = 	snop;
	(pc) =	sbr.ind lr, $3  }
0x3a: {  	_ = 	snop  }
0x3b: {  	_ = 	snop  }
0x3c: {  	p2 =	seq.s32 s10, $0x1;
	s10 =	sld [smem:$0x3FBA]  }
0x3d: {  	_ =	shalt  }
0x3e: {  	_ =	shalt  }
0x3f: {  	_ =	shalt  }
0x40: {  	_ =	shalt  }
0x41: {  	_ =	shalt  }
0x42: {  	_ =	shalt  }
0x43: {  	_ =	shalt  }
0x44: {  	_ =	shalt  }
0x45: {  	_ =	shalt  }
0x46: {  	_ =	shalt  }
0x47: {  	_ =	shalt  }
0x48: {  	_ =	shalt  }
0x49: {  	_ =	shalt  }
0x4a: {  	_ =	shalt  }
0x4b: {  	_ =	shalt  }
0x4c: {  	_ =	shalt  }
0x4d: {  	_ =	shalt  }
0x4e: {  	_ =	shalt  }
0x4f: {  	_ =	shalt  }
0x50: {  	_ =	shalt  }
0x51: {  	_ =	shalt  }
0x52: {  	_ =	shalt  }
0x53: {  	_ =	shalt  }
0x54: {  	_ =	shalt  }
0x55: {  	_ =	shalt  }
0x56: {  	_ =	shalt  }
0x57: {  	_ =	shalt  }
0x58: {  	_ =	shalt  }
0x59: {  	_ =	shalt  }
0x5a: {  	_ =	shalt  }
0x5b: {  	_ =	shalt  }
0x5c: {  	_ =	shalt  }
0x5d: {  	_ =	shalt  }
0x5e: {  	_ =	shalt  }
0x5f: {  	_ =	shalt  }
0x60: {  	_ =	shalt  }
0x61: {  	_ =	shalt  }
0x62: {  	_ =	shalt  }
0x63: {  	_ =	shalt  }
0x64: {  	_ =	shalt  }
0x65: {  	_ =	shalt  }
0x66: {  	_ =	shalt  }
0x67: {  	_ =	shalt  }
0x68: {  	_ =	shalt  }
0x69: {  	_ =	shalt  }
0x6a: {  	_ =	shalt  }
0x6b: {  	_ =	shalt  }
0x6c: {  	_ =	shalt  }
0x6d: {  	_ =	shalt  }
0x6e: {  	_ =	shalt  }
0x6f: {  	_ =	shalt  }
0x70: {  	_ =	shalt  }
0x71: {  	_ =	shalt  }
0x72: {  	_ =	shalt  }
0x73: {  	_ =	shalt  }
0x74: {  	_ =	shalt  }
0x75: {  	_ =	shalt  }
0x76: {  	_ =	shalt  }
0x77: {  	_ =	shalt  }
0x78: {  	_ =	shalt  }
0x79: {  	_ =	shalt  }
0x7a: {  	_ =	shalt  }
0x7b: {  	_ =	shalt  }
0x7c: {  	_ =	shalt  }
0x7d: {  	_ =	shalt  }
0x7e: {  	_ =	shalt  }
0x7f: {  	_ =	shalt  }
0x80: {  	_ =	shalt  }
0x81: {  	_ =	shalt  }
0x82: {  	_ =	shalt  }
0x83: {  	_ =	shalt  }
0x84: {  	_ =	shalt  }
0x85: {  	_ =	shalt  }
0x86: {  	_ =	shalt  }
0x87: {  	_ =	shalt  }
.Lfunc_end0:
.L_simem_size_0:
called_computation_lowered:
.L_overlay_start_0:
0x88: {  	s2 =	sld [smem:$0x3FD9]  }
0x89: {  	s3 =	sld [smem:$0x3FFE];
	_ =	sdelay $0x1  }
0x8a: {  	s1 =	srdreg.scid  }
0x8b: {  	s0 =	sand.u32 $0x1, s1  }
0x8c: {  	s18 =	sshll.u32 s0, $0xA;
	s2 =	sadd.s32 s3, s2  }
0x8d: {  	s2 =	sadd.s32 s2, s18  }
0x8e: {  	[smem:$0x3FC6] =	sst s2  }
0x8f: {  	_ = 	snop  }
0x90: {  	s2 =	sld [smem:$0x3FC9]  }
0x91: {  	s19 =	sld [smem:$0x3FC8]  }
0x92: {  	s4 =	sld [smem:$0x3FD0];
	(tm) =	ssettm $0x1  }
0x93: {  	s5 =	sld [smem:$0x3FFB];
	_ =	sdelay $0x3  }
0x94: {  	_ =	strace s5  }
0x95: {  	s5 =	sld [smem:$0x3FFC];
	_ =	sdelay $0x3  }
0x96: {  	_ =	strace s5  }
0x97: {  	s5 =	sld [smem:$0x3FFD];
	_ =	sdelay $0x3  }
0x98: {  	_ =	strace s5  }
0x99: {  	_ =	strace $0x8FFFFFFF  }
0x9a: {  	s20 =	sld [smem:$0x3FDB];
	_ =	sdelay $0x1  }
0x9b: {  	s6 =	simm.s32 $_scs_section_size  }
0x9c: {  	s7 =	simm.s32 $_size__tile_overlayer_lowered;
	s8 =	simm.s32 $_tile_overlayer_lowered  }
0x9d: {  	s23 =	simm.s32 $0x1BFF;
	s22 =	sshll.u32 s8, $0x1;
	s5 =	sadd.s32 s6, s20  }
0x9e: {  	s9 =	simm.s32 $0x0;
	s21 =	sshll.u32 s7, $0x1;
	s7 =	sadd.s32 s22, s5  }
0x9f: {  	[timem:s9], [sflag:s23] =	dma.local [hbm:s7], s21  }
0xa0: {  	_ =	swait.ge [sflag:s23], s21  }
0xa1: {  	s6 =	ssub.s32 $0x0, s21;
	[sflag:s23] =	ssyncset.done $0x0  }
0xa2: {  	[sflag:s23] =	ssyncadd.s32 s6;
	_ =	sdelay $0x1  }
0xa3: {  	s24 =	simm.s32 $0x1B8B  }
0xa4: {  	_ =	swait.ge [sflag:s24], $0x1  }
0xa5: {  	[sflag:s24] =	ssyncset.done $0x0  }
0xa6: {  	s25 =	simm.s32 $0x1B8E;
	[sflag:s24] =	ssyncadd.s32 $0xFFFFFFFF  }
0xa7: {  	s26 =	simm.s32 $execute0_lowered;
	[smem:$0x3FD2] =	sst s25  }
0xa8: {  	s6 =	sshll.u32 s26, $0x1;
	_ =	strace $0x80000046;
	[dreg:$0x1] =	wrdreg $0xFFFFFFFF  }
0xa9: {  	s28 =	simm.s32 $_size_execute0_lowered;
	s5 =	sadd.s32 s5, s6;
	[dreg:$0x0] =	wrdreg $0x0  }
0xaa: {  	s6 =	sshll.u32 s28, $0x1;
	[dreg:$0x2] =	wrdreg s5  }
0xab: {  	[dreg:$0x3] =	wrdreg s6  }
0xac: {  	[dreg:$0x4] =	wrdreg $0xC0  }
0xad: {  	_ =	task [dreg:s9], $0x5FFFF  }
0xae: {  	[dreg:$0x1] =	wrdreg $0xFFFFFFFF  }
0xaf: {  	[dreg:$0x0] =	wrdreg $0x60  }
0xb0: {  	[dreg:$0x2] =	wrdreg s2  }
0xb1: {  	[dreg:$0x3] =	wrdreg s19  }
0xb2: {  	[dreg:$0x4] =	wrdreg s4  }
0xb3: {  	[dreg:$0x5] =	wrdreg $0x9  }
0xb4: {  	_ =	task.clear_ibuf [dreg:s9], $0x6FFFF;
	_ =	strace $0x90000046  }
0xb5: {  	s29 =	simm.s32 $0x9;
	_ =	strace $0x80000048  }
0xb6: {  	_ =	swait.ge [sflag:s29], $0x1  }
0xb7: {  	[sflag:s29] =	ssyncadd.s32 $0xFFFFFFFF  }
0xb8: {  	_ =	strace $0x90000048  }
0xb9: {  	_ =	sfence  }
0xba: {  	s30 =	sld [smem:$0x0];
	_ =	sdelay $0x2  }
0xbb: {  	s31 =	sshll.u32 s1, $0xD;
	s1 =	sshrl.u32 s1, $0x2  }
0xbc: {  	s3 =	sand.u32 $0x4000, s31;
	s1 =	sadd.s32 s1, s30  }
0xbd: {  	s0 =	sor.u32 s3, s0;
	s1 =	sshll.u32 s1, $0x11  }
0xbe: {  	s0 =	sor.u32 s1, s0  }
0xbf: {  	s0 =	sadd.s32 $0x8F2B, s0  }
0xc0: {  	[sflag:s0] =	ssyncadd.remote.s32 $0x1  }
0xc1: {  	_ =	sfence.sel $0xFFFF  }
0xc2: {  	[dreg:$0x0] =	wrdreg $0xFFFFFFFF;
	(pc) =	sbr.abs _section_cstart, $3  }
0xc3: {  	[dreg:$0x1] =	wrdreg $0xFFFFFFFF  }
0xc4: {  	_ =	task.clear_ibuf [dreg:s9], $0x2FFFF;
	_ =	strace $0x9FFFFFFF  }
0xc5: {  	(tm) =	ssettm $0x7FFFFFFF  }
tec
execute0_lowered:
.L_overlay_start_1:
0x0: {  	(tag) =	ssettag $0x1  }
0x1: {  	s1 =	rddreg [dreg:$0x0]  }
0x2: {  	s0 =	rddreg [dreg:$0x1]  }
0x3: {  	s3 =	rddreg [dreg:$0x2]  }
0x4: {  	s2 =	srdreg.scid;
	s7 =	stileid.u32  }
0x5: {  	s4 =	simm.s32 $0x0;
	s12 =	simm.s32 $0x80;
	s13 =	simm.s32 $0x400  }
0x6: {  	s14 =	simm.s32 $0x4;
	s15 =	simm.s32 $0x4000;
	s16 =	simm.s32 $0x10380  }
0x7: {  	s17 =	simm.s32 $0x1;
	s18 =	simm.s32 $0x1C700;
	s19 =	simm.s32 $0x1D700  }
0x8: {  	s20 =	simm.s32 $0x3;
	s21 =	simm.s32 $0x2;
	s22 =	simm.s32 $0x0  }
0x9: {  	s2 =	sand.u32 $0x1, s2;
	s5 =	sshll.u32 s7, $0x1;
	[smem:$0x7FF] =	sst s4  }
0xa: {  	s7 =	sshll.u32 s7, $0x3;
	s9 =	sadd.s32 $0x2000, s3;
	s10 =	sadd.s32 $0x3000, s3  }
0xb: {  	s6 =	ssub.s32 $0x2, s2;
	s2 =	sor.u32 s2, s5;
	_ =	strace $0x80000047  }
0xc: {  	s31 =	sand.u32 $0x70, s7;
	s30 =	sshrl.u32 s6, $0x1;
	s8 =	smul.u32 $0x18700, s2  }
0xd: {  	s5 =	sshll.u32 s2, $0x4;
	s11 =	ssub.s32 s6, s30;
	s6 =	sadd.s32 s0, s31  }
0xe: {  	s7 =	sadd.s32 s1, s8;
	s8 =	sadd.s32 $0x1000, s3;
	s11 =	smax.u32 s11, $0x1  }
.LBB2_1:
0xf: {  	[tilespmem:s4], [sflag:$0x4] =	stream.strided.gather [hbm4b:s6+s12], $0x4000, s13, s12, $0x38;
	[tilespmem:$0x1E700] =	vst v63  }
0x10: {  	_ =	swait.ge [sflag:s14], $0x4000  }
0x11: {  	[sflag:s14] =	ssyncset.done $0x0  }
0x12: {  	s23 =	simm.s32 $0x0;
	[sflag:s14] =	ssyncadd.s32 $0xFFFFC000  }
0x13: {  	[tilespmem:s15], [sflag:$0x1] =	stream.strided.gather [hbm4b:s7+s12], $0xC380, s13, s12, $0x38;
	[tilespmem:$0x1E700] =	vst v63  }
.LBB2_2:
0x14: {  	s0 =	sshll.u32 s23, $0x1  }
0x15: {  	s26 =	sadd.s32 s5, s0  }
0x16: {  	s25 =	sshll.u32 s23, $0x8;
	s24 =	sshrl.u32 s26, $0x3  }
0x17: {  	s28 =	sand.u32 $0x300, s25;
	s31 =	smul.u32 $0x61C00, s24  }
0x18: {  	s25 =	sor.u32 $0x80, s28  }
0x19: {  	s0 =	sor.u32 s25, s31  }
0x1a: {  	s0 =	sshrl.u32 s0, $0x3  }
0x1b: {  	s0 =	sadd.s32 s1, s0  }
0x1c: {  	[tilespmem:s16], [sflag:$0x2] =	stream.strided.gather [hbm4b:s0+s12], $0xC380, s13, s12, $0x38;
	[tilespmem:$0x1E700] =	vst v63  }
0x1d: {  	_ =	swait.ge [sflag:s17], $0xC380  }
0x1e: {  	[sflag:s17] =	ssyncset.done $0x0  }
0x1f: {  	s29 =	simm.s32 $0x0;
	[sflag:s17] =	ssyncadd.s32 $0xFFFF3C80  }
0x20: {  	v0 =	vld [tilespmem:s29+$0x0];
	_ =	sdelay $0x5  }
0x21: {  	v1 =	vld [tilespmem:s29+$0x10];
	_ =	sdelay $0x1  }
0x22: {  	v0 =	vld.idx.msk [tilespmem:v0+s15+$0x0], $0xffff;
	_ =	sdelay $0x4  }
0x23: {  	[tilespmem:s29+$0x1C700] =	vst v0;
	v0 =	vld [tilespmem:s29+$0x20]  }
0x24: {  	v1 =	vld.idx.msk [tilespmem:v1+s15+$0x0], $0xffff;
	_ =	sdelay $0x4  }
0x25: {  	[tilespmem:s29+$0x1C710] =	vst v1;
	v1 =	vld [tilespmem:s29+$0x30];
	_ =	sdelay $0x1  }
0x26: {  	v0 =	vld.idx.msk [tilespmem:v0+s15+$0x0], $0xffff;
	_ =	sdelay $0x4  }
0x27: {  	[tilespmem:s29+$0x1C720] =	vst v0;
	v0 =	vld [tilespmem:s29+$0x40]  }
0x28: {  	v1 =	vld.idx.msk [tilespmem:v1+s15+$0x0], $0xffff;
	_ =	sdelay $0x4  }
0x29: {  	[tilespmem:s29+$0x1C730] =	vst v1;
	v1 =	vld [tilespmem:s29+$0x50];
	_ =	sdelay $0x1  }
0x2a: {  	v0 =	vld.idx.msk [tilespmem:v0+s15+$0x0], $0xffff;
	_ =	sdelay $0x4  }
0x2b: {  	v2 =	vld [tilespmem:s29+$0x60];
	[tilespmem:s29+$0x1C740] =	vst v0  }
0x2c: {  	v0 =	vld.idx.msk [tilespmem:v1+s15+$0x0], $0xffff;
	_ =	sdelay $0x4  }
0x2d: {  	[tilespmem:s29+$0x1C750] =	vst v0;
	v0 =	vld [tilespmem:s29+$0x70];
	_ =	sdelay $0x1  }
0x2e: {  	v1 =	vld.idx.msk [tilespmem:v2+s15+$0x0], $0xffff;
	_ =	sdelay $0x3  }
0x2f: {  	s30 =	simm.s32 $0x400;
	s0 =	simm.s32 $0x80  }
.LBB2_3:
0x30: {  	p0 =	sne.s32 s30, $0x3E00;
	v2 =	vld [tilespmem:s0+$0x0];
	[tilespmem:s29+$0x1C760] =	vst v1  }
0x31: {  	v0 =	vld.idx.msk [tilespmem:v0+s15+$0x0], $0xffff;
	_ =	sdelay $0x5  }
0x32: {  	v1 =	vld [tilespmem:s0+$0x10];
	[tilespmem:s29+$0x1C770] =	vst v0;
	s29 =	smov.u32 s0  }
0x33: {  	v0 =	vld.idx.msk [tilespmem:v2+s15+$0x0], $0xffff;
	_ =	sdelay $0x5  }
0x34: {  	[tilespmem:s29+$0x1C700] =	vst v0;
	v0 =	vld [tilespmem:s29+$0x20]  }
0x35: {  	v1 =	vld.idx.msk [tilespmem:v1+s15+$0x0], $0xffff;
	_ =	sdelay $0x5  }
0x36: {  	[tilespmem:s29+$0x1C710] =	vst v1;
	v1 =	vld [tilespmem:s29+$0x30]  }
0x37: {  	v0 =	vld.idx.msk [tilespmem:v0+s15+$0x0], $0xffff;
	_ =	sdelay $0x5  }
0x38: {  	[tilespmem:s29+$0x1C720] =	vst v0;
	v0 =	vld [tilespmem:s29+$0x40]  }
0x39: {  	v1 =	vld.idx.msk [tilespmem:v1+s15+$0x0], $0xffff;
	_ =	sdelay $0x5  }
0x3a: {  	[tilespmem:s29+$0x1C730] =	vst v1;
	v1 =	vld [tilespmem:s29+$0x50]  }
0x3b: {  	v0 =	vld.idx.msk [tilespmem:v0+s15+$0x0], $0xffff;
	_ =	sdelay $0x5  }
0x3c: {  	[tilespmem:s29+$0x1C740] =	vst v0;
	v2 =	vld [tilespmem:s29+$0x60]  }
0x3d: {  	v0 =	vld.idx.msk [tilespmem:v1+s15+$0x0], $0xffff;
	_ =	sdelay $0x5  }
0x3e: {  	[tilespmem:s29+$0x1C750] =	vst v0;
	v0 =	vld [tilespmem:s29+$0x70]  }
0x3f: {  	v1 =	vld.idx.msk [tilespmem:v2+s15+$0x0], $0xffff  }
.Ltmp0:
0x40: {  	(pc) =	sbr.rel @p0 .LBB2_3-.Ltmp0, $2  }
0x41: {  	_ =	sdelay $0x2  }
0x42: {  	s0 =	sshra.s32 s30, $0x2;
	s30 =	sadd.s32 $0x200, s30  }
0x43: {  	_ =	sdelay $0x1  }
0x44: {  	v2 =	vld [tilespmem:s0+$0x0]  }
0x45: {  	[tilespmem:s29+$0x1C760] =	vst v1  }
0x46: {  	v0 =	vld.idx.msk [tilespmem:v0+s15+$0x0], $0xffff;
	_ =	sdelay $0x3  }
0x47: {  	v1 =	vld [tilespmem:s0+$0x10]  }
0x48: {  	[tilespmem:s29+$0x1C770] =	vst v0  }
0x49: {  	v0 =	vld.idx.msk [tilespmem:v2+s15+$0x0], $0xffff;
	_ =	sdelay $0x4  }
0x4a: {  	[tilespmem:s0+$0x1C700] =	vst v0;
	v0 =	vld [tilespmem:s0+$0x20]  }
0x4b: {  	v1 =	vld.idx.msk [tilespmem:v1+s15+$0x0], $0xffff;
	_ =	sdelay $0x4  }
0x4c: {  	[tilespmem:s0+$0x1C710] =	vst v1;
	v1 =	vld [tilespmem:s0+$0x30];
	_ =	sdelay $0x1  }
0x4d: {  	v0 =	vld.idx.msk [tilespmem:v0+s15+$0x0], $0xffff;
	_ =	sdelay $0x4  }
0x4e: {  	[tilespmem:s0+$0x1C720] =	vst v0;
	v0 =	vld [tilespmem:s0+$0x40]  }
0x4f: {  	v1 =	vld.idx.msk [tilespmem:v1+s15+$0x0], $0xffff;
	_ =	sdelay $0x4  }
0x50: {  	[tilespmem:s0+$0x1C730] =	vst v1;
	v1 =	vld [tilespmem:s0+$0x50];
	_ =	sdelay $0x1  }
0x51: {  	v0 =	vld.idx.msk [tilespmem:v0+s15+$0x0], $0xffff;
	_ =	sdelay $0x4  }
0x52: {  	[tilespmem:s0+$0x1C740] =	vst v0;
	v0 =	vld [tilespmem:s0+$0x60]  }
0x53: {  	v1 =	vld.idx.msk [tilespmem:v1+s15+$0x0], $0xffff;
	_ =	sdelay $0x4  }
0x54: {  	[tilespmem:s0+$0x1C750] =	vst v1;
	v1 =	vld [tilespmem:s0+$0x70];
	_ =	sdelay $0x1  }
0x55: {  	v0 =	vld.idx.msk [tilespmem:v0+s15+$0x0], $0xffff;
	_ =	sdelay $0x4  }
0x56: {  	[tilespmem:s0+$0x1C760] =	vst v0  }
0x57: {  	v0 =	vld.idx.msk [tilespmem:v1+s15+$0x0], $0xffff  }
0x58: {  	s29 =	sshll.u32 s26, $0xE  }
0x59: {  	s2 =	sand.u32 $0x7FFE0000, s29  }
0x5a: {  	s2 =	sor.u32 s28, s2  }
0x5b: {  	s30 =	sshrl.u32 s2, $0x3  }
0x5c: {  	s31 =	simm.s32 $0x0;
	s2 =	sadd.s32 s3, s30;
	[tilespmem:s0+$0x1C770] =	vst v0  }
0x5d: {  	[hbm4b:s2+s12] =	stream.strided.scatter [tilespmem:s18], [sflag:$0x3], $0x1000, s13, s12, $0x38;
	[tilespmem:$0x1E700] =	vst v63  }
0x5e: {  	v0 =	vld [tilespmem:s31+$0x1000];
	_ =	sdelay $0x5  }
0x5f: {  	v1 =	vld [tilespmem:s31+$0x1010];
	_ =	sdelay $0x1  }
0x60: {  	v0 =	vld.idx.msk [tilespmem:v0+s15+$0x0], $0xffff;
	_ =	sdelay $0x4  }
0x61: {  	[tilespmem:s31+$0x1D700] =	vst v0;
	v0 =	vld [tilespmem:s31+$0x1020]  }
0x62: {  	v1 =	vld.idx.msk [tilespmem:v1+s15+$0x0], $0xffff;
	_ =	sdelay $0x4  }
0x63: {  	[tilespmem:s31+$0x1D710] =	vst v1;
	v1 =	vld [tilespmem:s31+$0x1030];
	_ =	sdelay $0x1  }
0x64: {  	v0 =	vld.idx.msk [tilespmem:v0+s15+$0x0], $0xffff;
	_ =	sdelay $0x4  }
0x65: {  	[tilespmem:s31+$0x1D720] =	vst v0;
	v0 =	vld [tilespmem:s31+$0x1040]  }
0x66: {  	v1 =	vld.idx.msk [tilespmem:v1+s15+$0x0], $0xffff;
	_ =	sdelay $0x4  }
0x67: {  	[tilespmem:s31+$0x1D730] =	vst v1;
	v1 =	vld [tilespmem:s31+$0x1050];
	_ =	sdelay $0x1  }
0x68: {  	v0 =	vld.idx.msk [tilespmem:v0+s15+$0x0], $0xffff;
	_ =	sdelay $0x4  }
0x69: {  	v2 =	vld [tilespmem:s31+$0x1060];
	[tilespmem:s31+$0x1D740] =	vst v0  }
0x6a: {  	v0 =	vld.idx.msk [tilespmem:v1+s15+$0x0], $0xffff;
	_ =	sdelay $0x4  }
0x6b: {  	[tilespmem:s31+$0x1D750] =	vst v0;
	v0 =	vld [tilespmem:s31+$0x1070];
	_ =	sdelay $0x1  }
0x6c: {  	v1 =	vld.idx.msk [tilespmem:v2+s15+$0x0], $0xffff;
	_ =	sdelay $0x3  }
0x6d: {  	s0 =	simm.s32 $0x400;
	s2 =	simm.s32 $0x80  }
.LBB2_5:
0x6e: {  	p0 =	sne.s32 s0, $0x3E00;
	v2 =	vld [tilespmem:s2+$0x1000];
	[tilespmem:s31+$0x1D760] =	vst v1  }
0x6f: {  	v0 =	vld.idx.msk [tilespmem:v0+s15+$0x0], $0xffff;
	_ =	sdelay $0x5  }
0x70: {  	v1 =	vld [tilespmem:s2+$0x1010];
	[tilespmem:s31+$0x1D770] =	vst v0;
	s31 =	smov.u32 s2  }
0x71: {  	v0 =	vld.idx.msk [tilespmem:v2+s15+$0x0], $0xffff;
	_ =	sdelay $0x5  }
0x72: {  	[tilespmem:s31+$0x1D700] =	vst v0;
	v0 =	vld [tilespmem:s31+$0x1020]  }
0x73: {  	v1 =	vld.idx.msk [tilespmem:v1+s15+$0x0], $0xffff;
	_ =	sdelay $0x5  }
0x74: {  	[tilespmem:s31+$0x1D710] =	vst v1;
	v1 =	vld [tilespmem:s31+$0x1030]  }
0x75: {  	v0 =	vld.idx.msk [tilespmem:v0+s15+$0x0], $0xffff;
	_ =	sdelay $0x5  }
0x76: {  	[tilespmem:s31+$0x1D720] =	vst v0;
	v0 =	vld [tilespmem:s31+$0x1040]  }
0x77: {  	v1 =	vld.idx.msk [tilespmem:v1+s15+$0x0], $0xffff;
	_ =	sdelay $0x5  }
0x78: {  	[tilespmem:s31+$0x1D730] =	vst v1;
	v1 =	vld [tilespmem:s31+$0x1050]  }
0x79: {  	v0 =	vld.idx.msk [tilespmem:v0+s15+$0x0], $0xffff;
	_ =	sdelay $0x5  }
0x7a: {  	[tilespmem:s31+$0x1D740] =	vst v0;
	v2 =	vld [tilespmem:s31+$0x1060]  }
0x7b: {  	v0 =	vld.idx.msk [tilespmem:v1+s15+$0x0], $0xffff;
	_ =	sdelay $0x5  }
0x7c: {  	[tilespmem:s31+$0x1D750] =	vst v0;
	v0 =	vld [tilespmem:s31+$0x1070]  }
0x7d: {  	v1 =	vld.idx.msk [tilespmem:v2+s15+$0x0], $0xffff  }
.Ltmp1:
0x7e: {  	(pc) =	sbr.rel @p0 .LBB2_5-.Ltmp1, $2  }
0x7f: {  	_ =	sdelay $0x2  }
0x80: {  	s2 =	sshra.s32 s0, $0x2;
	s0 =	sadd.s32 $0x200, s0  }
0x81: {  	_ =	sdelay $0x1  }
0x82: {  	v2 =	vld [tilespmem:s2+$0x1000]  }
0x83: {  	[tilespmem:s31+$0x1D760] =	vst v1  }
0x84: {  	v0 =	vld.idx.msk [tilespmem:v0+s15+$0x0], $0xffff;
	_ =	sdelay $0x3  }
0x85: {  	v1 =	vld [tilespmem:s2+$0x1010]  }
0x86: {  	[tilespmem:s31+$0x1D770] =	vst v0  }
0x87: {  	v0 =	vld.idx.msk [tilespmem:v2+s15+$0x0], $0xffff;
	_ =	sdelay $0x4  }
0x88: {  	[tilespmem:s2+$0x1D700] =	vst v0;
	v0 =	vld [tilespmem:s2+$0x1020]  }
0x89: {  	v1 =	vld.idx.msk [tilespmem:v1+s15+$0x0], $0xffff;
	_ =	sdelay $0x4  }
0x8a: {  	[tilespmem:s2+$0x1D710] =	vst v1;
	v1 =	vld [tilespmem:s2+$0x1030];
	_ =	sdelay $0x1  }
0x8b: {  	v0 =	vld.idx.msk [tilespmem:v0+s15+$0x0], $0xffff;
	_ =	sdelay $0x4  }
0x8c: {  	[tilespmem:s2+$0x1D720] =	vst v0;
	v0 =	vld [tilespmem:s2+$0x1040]  }
0x8d: {  	v1 =	vld.idx.msk [tilespmem:v1+s15+$0x0], $0xffff;
	_ =	sdelay $0x4  }
0x8e: {  	[tilespmem:s2+$0x1D730] =	vst v1;
	v1 =	vld [tilespmem:s2+$0x1050];
	_ =	sdelay $0x1  }
0x8f: {  	v0 =	vld.idx.msk [tilespmem:v0+s15+$0x0], $0xffff;
	_ =	sdelay $0x4  }
0x90: {  	[tilespmem:s2+$0x1D740] =	vst v0;
	v0 =	vld [tilespmem:s2+$0x1060]  }
0x91: {  	v1 =	vld.idx.msk [tilespmem:v1+s15+$0x0], $0xffff;
	_ =	sdelay $0x4  }
0x92: {  	[tilespmem:s2+$0x1D750] =	vst v1;
	v1 =	vld [tilespmem:s2+$0x1070];
	_ =	sdelay $0x1  }
0x93: {  	v0 =	vld.idx.msk [tilespmem:v0+s15+$0x0], $0xffff;
	_ =	sdelay $0x4  }
0x94: {  	[tilespmem:s2+$0x1D760] =	vst v0  }
0x95: {  	v0 =	vld.idx.msk [tilespmem:v1+s15+$0x0], $0xffff;
	_ =	sdelay $0x4  }
0x96: {  	s0 =	sadd.s32 s30, s8;
	[tilespmem:s2+$0x1D770] =	vst v0  }
0x97: {  	[hbm4b:s0+s12] =	stream.strided.scatter [tilespmem:s19], [sflag:$0x3], $0x1000, s13, s12, $0x38;
	[tilespmem:$0x1E700] =	vst v63  }
0x98: {  	_ =	swait.ge [sflag:s20], $0x1000  }
0x99: {  	[sflag:s20] =	ssyncset.done $0x0  }
0x9a: {  	s31 =	simm.s32 $0x0;
	[sflag:s20] =	ssyncadd.s32 $0xFFFFF000  }
0x9b: {  	v0 =	vld [tilespmem:s31+$0x2000];
	_ =	sdelay $0x5  }
0x9c: {  	v1 =	vld [tilespmem:s31+$0x2010];
	_ =	sdelay $0x1  }
0x9d: {  	v0 =	vld.idx.msk [tilespmem:v0+s15+$0x0], $0xffff;
	_ =	sdelay $0x4  }
0x9e: {  	[tilespmem:s31+$0x1C700] =	vst v0;
	v0 =	vld [tilespmem:s31+$0x2020]  }
0x9f: {  	v1 =	vld.idx.msk [tilespmem:v1+s15+$0x0], $0xffff;
	_ =	sdelay $0x4  }
0xa0: {  	[tilespmem:s31+$0x1C710] =	vst v1;
	v1 =	vld [tilespmem:s31+$0x2030];
	_ =	sdelay $0x1  }
0xa1: {  	v0 =	vld.idx.msk [tilespmem:v0+s15+$0x0], $0xffff;
	_ =	sdelay $0x4  }
0xa2: {  	[tilespmem:s31+$0x1C720] =	vst v0;
	v0 =	vld [tilespmem:s31+$0x2040]  }
0xa3: {  	v1 =	vld.idx.msk [tilespmem:v1+s15+$0x0], $0xffff;
	_ =	sdelay $0x4  }
0xa4: {  	[tilespmem:s31+$0x1C730] =	vst v1;
	v1 =	vld [tilespmem:s31+$0x2050];
	_ =	sdelay $0x1  }
0xa5: {  	v0 =	vld.idx.msk [tilespmem:v0+s15+$0x0], $0xffff;
	_ =	sdelay $0x4  }
0xa6: {  	v2 =	vld [tilespmem:s31+$0x2060];
	[tilespmem:s31+$0x1C740] =	vst v0  }
0xa7: {  	v0 =	vld.idx.msk [tilespmem:v1+s15+$0x0], $0xffff;
	_ =	sdelay $0x4  }
0xa8: {  	[tilespmem:s31+$0x1C750] =	vst v0;
	v0 =	vld [tilespmem:s31+$0x2070];
	_ =	sdelay $0x1  }
0xa9: {  	v1 =	vld.idx.msk [tilespmem:v2+s15+$0x0], $0xffff;
	_ =	sdelay $0x3  }
0xaa: {  	s2 =	simm.s32 $0x80;
	s0 =	simm.s32 $0x400  }
.LBB2_7:
0xab: {  	p0 =	sne.s32 s0, $0x3E00;
	v2 =	vld [tilespmem:s2+$0x2000];
	[tilespmem:s31+$0x1C760] =	vst v1  }
0xac: {  	v0 =	vld.idx.msk [tilespmem:v0+s15+$0x0], $0xffff;
	_ =	sdelay $0x5  }
0xad: {  	v1 =	vld [tilespmem:s2+$0x2010];
	[tilespmem:s31+$0x1C770] =	vst v0;
	s31 =	smov.u32 s2  }
0xae: {  	v0 =	vld.idx.msk [tilespmem:v2+s15+$0x0], $0xffff;
	_ =	sdelay $0x5  }
0xaf: {  	[tilespmem:s31+$0x1C700] =	vst v0;
	v0 =	vld [tilespmem:s31+$0x2020]  }
0xb0: {  	v1 =	vld.idx.msk [tilespmem:v1+s15+$0x0], $0xffff;
	_ =	sdelay $0x5  }
0xb1: {  	[tilespmem:s31+$0x1C710] =	vst v1;
	v1 =	vld [tilespmem:s31+$0x2030]  }
0xb2: {  	v0 =	vld.idx.msk [tilespmem:v0+s15+$0x0], $0xffff;
	_ =	sdelay $0x5  }
0xb3: {  	[tilespmem:s31+$0x1C720] =	vst v0;
	v0 =	vld [tilespmem:s31+$0x2040]  }
0xb4: {  	v1 =	vld.idx.msk [tilespmem:v1+s15+$0x0], $0xffff;
	_ =	sdelay $0x5  }
0xb5: {  	[tilespmem:s31+$0x1C730] =	vst v1;
	v1 =	vld [tilespmem:s31+$0x2050]  }
0xb6: {  	v0 =	vld.idx.msk [tilespmem:v0+s15+$0x0], $0xffff;
	_ =	sdelay $0x5  }
0xb7: {  	[tilespmem:s31+$0x1C740] =	vst v0;
	v2 =	vld [tilespmem:s31+$0x2060]  }
0xb8: {  	v0 =	vld.idx.msk [tilespmem:v1+s15+$0x0], $0xffff;
	_ =	sdelay $0x5  }
0xb9: {  	[tilespmem:s31+$0x1C750] =	vst v0;
	v0 =	vld [tilespmem:s31+$0x2070]  }
0xba: {  	v1 =	vld.idx.msk [tilespmem:v2+s15+$0x0], $0xffff  }
.Ltmp2:
0xbb: {  	(pc) =	sbr.rel @p0 .LBB2_7-.Ltmp2, $2  }
0xbc: {  	_ =	sdelay $0x2  }
0xbd: {  	s2 =	sshra.s32 s0, $0x2;
	s0 =	sadd.s32 $0x200, s0  }
0xbe: {  	_ =	sdelay $0x1  }
0xbf: {  	v2 =	vld [tilespmem:s2+$0x2000]  }
0xc0: {  	[tilespmem:s31+$0x1C760] =	vst v1  }
0xc1: {  	v0 =	vld.idx.msk [tilespmem:v0+s15+$0x0], $0xffff;
	_ =	sdelay $0x3  }
0xc2: {  	v1 =	vld [tilespmem:s2+$0x2010]  }
0xc3: {  	[tilespmem:s31+$0x1C770] =	vst v0  }
0xc4: {  	v0 =	vld.idx.msk [tilespmem:v2+s15+$0x0], $0xffff;
	_ =	sdelay $0x4  }
0xc5: {  	[tilespmem:s2+$0x1C700] =	vst v0;
	v0 =	vld [tilespmem:s2+$0x2020]  }
0xc6: {  	v1 =	vld.idx.msk [tilespmem:v1+s15+$0x0], $0xffff;
	_ =	sdelay $0x4  }
0xc7: {  	[tilespmem:s2+$0x1C710] =	vst v1;
	v1 =	vld [tilespmem:s2+$0x2030];
	_ =	sdelay $0x1  }
0xc8: {  	v0 =	vld.idx.msk [tilespmem:v0+s15+$0x0], $0xffff;
	_ =	sdelay $0x4  }
0xc9: {  	[tilespmem:s2+$0x1C720] =	vst v0;
	v0 =	vld [tilespmem:s2+$0x2040]  }
0xca: {  	v1 =	vld.idx.msk [tilespmem:v1+s15+$0x0], $0xffff;
	_ =	sdelay $0x4  }
0xcb: {  	[tilespmem:s2+$0x1C730] =	vst v1;
	v1 =	vld [tilespmem:s2+$0x2050];
	_ =	sdelay $0x1  }
0xcc: {  	v0 =	vld.idx.msk [tilespmem:v0+s15+$0x0], $0xffff;
	_ =	sdelay $0x4  }
0xcd: {  	[tilespmem:s2+$0x1C740] =	vst v0;
	v0 =	vld [tilespmem:s2+$0x2060]  }
0xce: {  	v1 =	vld.idx.msk [tilespmem:v1+s15+$0x0], $0xffff;
	_ =	sdelay $0x4  }
0xcf: {  	[tilespmem:s2+$0x1C750] =	vst v1;
	v1 =	vld [tilespmem:s2+$0x2070];
	_ =	sdelay $0x1  }
0xd0: {  	v0 =	vld.idx.msk [tilespmem:v0+s15+$0x0], $0xffff;
	_ =	sdelay $0x4  }
0xd1: {  	[tilespmem:s2+$0x1C760] =	vst v0  }
0xd2: {  	v0 =	vld.idx.msk [tilespmem:v1+s15+$0x0], $0xffff;
	_ =	sdelay $0x4  }
0xd3: {  	s0 =	sadd.s32 s30, s9;
	[tilespmem:s2+$0x1C770] =	vst v0  }
0xd4: {  	[hbm4b:s0+s12] =	stream.strided.scatter [tilespmem:s18], [sflag:$0x3], $0x1000, s13, s12, $0x38;
	[tilespmem:$0x1E700] =	vst v63  }
0xd5: {  	_ =	swait.ge [sflag:s20], $0x1000  }
0xd6: {  	[sflag:s20] =	ssyncset.done $0x0  }
0xd7: {  	s30 =	simm.s32 $0x0;
	[sflag:s20] =	ssyncadd.s32 $0xFFFFF000  }
0xd8: {  	v0 =	vld [tilespmem:s30+$0x3000];
	_ =	sdelay $0x5  }
0xd9: {  	v1 =	vld [tilespmem:s30+$0x3010];
	_ =	sdelay $0x1  }
0xda: {  	v0 =	vld.idx.msk [tilespmem:v0+s15+$0x0], $0xffff;
	_ =	sdelay $0x4  }
0xdb: {  	[tilespmem:s30+$0x1D700] =	vst v0;
	v0 =	vld [tilespmem:s30+$0x3020]  }
0xdc: {  	v1 =	vld.idx.msk [tilespmem:v1+s15+$0x0], $0xffff;
	_ =	sdelay $0x4  }
0xdd: {  	[tilespmem:s30+$0x1D710] =	vst v1;
	v1 =	vld [tilespmem:s30+$0x3030];
	_ =	sdelay $0x1  }
0xde: {  	v0 =	vld.idx.msk [tilespmem:v0+s15+$0x0], $0xffff;
	_ =	sdelay $0x4  }
0xdf: {  	[tilespmem:s30+$0x1D720] =	vst v0;
	v0 =	vld [tilespmem:s30+$0x3040]  }
0xe0: {  	v1 =	vld.idx.msk [tilespmem:v1+s15+$0x0], $0xffff;
	_ =	sdelay $0x4  }
0xe1: {  	[tilespmem:s30+$0x1D730] =	vst v1;
	v1 =	vld [tilespmem:s30+$0x3050];
	_ =	sdelay $0x1  }
0xe2: {  	v0 =	vld.idx.msk [tilespmem:v0+s15+$0x0], $0xffff;
	_ =	sdelay $0x4  }
0xe3: {  	v2 =	vld [tilespmem:s30+$0x3060];
	[tilespmem:s30+$0x1D740] =	vst v0  }
0xe4: {  	v0 =	vld.idx.msk [tilespmem:v1+s15+$0x0], $0xffff;
	_ =	sdelay $0x4  }
0xe5: {  	[tilespmem:s30+$0x1D750] =	vst v0;
	v0 =	vld [tilespmem:s30+$0x3070];
	_ =	sdelay $0x1  }
0xe6: {  	v1 =	vld.idx.msk [tilespmem:v2+s15+$0x0], $0xffff;
	_ =	sdelay $0x3  }
0xe7: {  	s31 =	simm.s32 $0x80;
	s0 =	simm.s32 $0x400  }
.LBB2_9:
0xe8: {  	p0 =	sne.s32 s0, $0x3E00;
	v2 =	vld [tilespmem:s31+$0x3000];
	[tilespmem:s30+$0x1D760] =	vst v1  }
0xe9: {  	v0 =	vld.idx.msk [tilespmem:v0+s15+$0x0], $0xffff;
	_ =	sdelay $0x5  }
0xea: {  	v1 =	vld [tilespmem:s31+$0x3010];
	[tilespmem:s30+$0x1D770] =	vst v0;
	s30 =	smov.u32 s31  }
0xeb: {  	v0 =	vld.idx.msk [tilespmem:v2+s15+$0x0], $0xffff;
	_ =	sdelay $0x5  }
0xec: {  	[tilespmem:s30+$0x1D700] =	vst v0;
	v0 =	vld [tilespmem:s30+$0x3020]  }
0xed: {  	v1 =	vld.idx.msk [tilespmem:v1+s15+$0x0], $0xffff;
	_ =	sdelay $0x5  }
0xee: {  	[tilespmem:s30+$0x1D710] =	vst v1;
	v1 =	vld [tilespmem:s30+$0x3030]  }
0xef: {  	v0 =	vld.idx.msk [tilespmem:v0+s15+$0x0], $0xffff;
	_ =	sdelay $0x5  }
0xf0: {  	[tilespmem:s30+$0x1D720] =	vst v0;
	v0 =	vld [tilespmem:s30+$0x3040]  }
0xf1: {  	v1 =	vld.idx.msk [tilespmem:v1+s15+$0x0], $0xffff;
	_ =	sdelay $0x5  }
0xf2: {  	[tilespmem:s30+$0x1D730] =	vst v1;
	v1 =	vld [tilespmem:s30+$0x3050]  }
0xf3: {  	v0 =	vld.idx.msk [tilespmem:v0+s15+$0x0], $0xffff;
	_ =	sdelay $0x5  }
0xf4: {  	[tilespmem:s30+$0x1D740] =	vst v0;
	v2 =	vld [tilespmem:s30+$0x3060]  }
0xf5: {  	v0 =	vld.idx.msk [tilespmem:v1+s15+$0x0], $0xffff;
	_ =	sdelay $0x5  }
0xf6: {  	[tilespmem:s30+$0x1D750] =	vst v0;
	v0 =	vld [tilespmem:s30+$0x3070]  }
0xf7: {  	v1 =	vld.idx.msk [tilespmem:v2+s15+$0x0], $0xffff  }
.Ltmp3:
0xf8: {  	(pc) =	sbr.rel @p0 .LBB2_9-.Ltmp3, $2  }
0xf9: {  	_ =	sdelay $0x2  }
0xfa: {  	s31 =	sshra.s32 s0, $0x2;
	s0 =	sadd.s32 $0x200, s0  }
0xfb: {  	_ =	sdelay $0x1  }
0xfc: {  	v2 =	vld [tilespmem:s31+$0x3000]  }
0xfd: {  	[tilespmem:s30+$0x1D760] =	vst v1  }
0xfe: {  	v0 =	vld.idx.msk [tilespmem:v0+s15+$0x0], $0xffff;
	_ =	sdelay $0x3  }
0xff: {  	v1 =	vld [tilespmem:s31+$0x3010]  }
0x100: {  	[tilespmem:s30+$0x1D770] =	vst v0  }
0x101: {  	v0 =	vld.idx.msk [tilespmem:v2+s15+$0x0], $0xffff;
	_ =	sdelay $0x4  }
0x102: {  	[tilespmem:s31+$0x1D700] =	vst v0;
	v0 =	vld [tilespmem:s31+$0x3020]  }
0x103: {  	v1 =	vld.idx.msk [tilespmem:v1+s15+$0x0], $0xffff;
	_ =	sdelay $0x4  }
0x104: {  	[tilespmem:s31+$0x1D710] =	vst v1;
	v1 =	vld [tilespmem:s31+$0x3030];
	_ =	sdelay $0x1  }
0x105: {  	v0 =	vld.idx.msk [tilespmem:v0+s15+$0x0], $0xffff;
	_ =	sdelay $0x4  }
0x106: {  	[tilespmem:s31+$0x1D720] =	vst v0;
	v0 =	vld [tilespmem:s31+$0x3040]  }
0x107: {  	v1 =	vld.idx.msk [tilespmem:v1+s15+$0x0], $0xffff;
	_ =	sdelay $0x4  }
0x108: {  	[tilespmem:s31+$0x1D730] =	vst v1;
	v1 =	vld [tilespmem:s31+$0x3050];
	_ =	sdelay $0x1  }
0x109: {  	v0 =	vld.idx.msk [tilespmem:v0+s15+$0x0], $0xffff;
	_ =	sdelay $0x4  }
0x10a: {  	[tilespmem:s31+$0x1D740] =	vst v0;
	v0 =	vld [tilespmem:s31+$0x3060]  }
0x10b: {  	v1 =	vld.idx.msk [tilespmem:v1+s15+$0x0], $0xffff;
	_ =	sdelay $0x4  }
0x10c: {  	[tilespmem:s31+$0x1D750] =	vst v1;
	v1 =	vld [tilespmem:s31+$0x3070];
	_ =	sdelay $0x1  }
0x10d: {  	v0 =	vld.idx.msk [tilespmem:v0+s15+$0x0], $0xffff;
	_ =	sdelay $0x4  }
0x10e: {  	[tilespmem:s31+$0x1D760] =	vst v0  }
0x10f: {  	v0 =	vld.idx.msk [tilespmem:v1+s15+$0x0], $0xffff;
	_ =	sdelay $0x1  }
0x110: {  	s0 =	sor.u32 s28, s29  }
0x111: {  	s0 =	sshrl.u32 s0, $0x3  }
0x112: {  	s0 =	sor.u32 $0x3000, s0  }
0x113: {  	p0 =	seq.s32 s23, $0x7;
	s0 =	sadd.s32 s3, s0;
	[tilespmem:s31+$0x1D770] =	vst v0  }
0x114: {  	[hbm4b:s0+s12] =	stream.strided.scatter [tilespmem:s19], [sflag:$0x3], $0x1000, s13, s12, $0x38;
	[tilespmem:$0x1E700] =	vst v63  }
0x115: {  	s0 =	sadd.s32 @!p0 $0x2, s26  }
0x116: {  	_ =	swait.ge [sflag:s20], $0x1000;
	s2 =	sshrl.u32 @!p0 s0, $0x3  }
0x117: {  	s0 =	sshll.u32 @!p0 s0, $0x7;
	[sflag:s20] =	ssyncset.done $0x0;
	s2 =	smul.u32 @!p0 $0x61C00, s2  }
0x118: {  	s0 =	sand.u32 @!p0 $0x300, s0;
	[sflag:s20] =	ssyncadd.s32 $0xFFFFF000  }
0x119: {  	s28 =	simm.s32 @!p0 $0x4000;
	_ =	swait.ge [sflag:s20], $0x1000;
	s0 =	sor.u32 @!p0 s0, s2  }
0x11a: {  	s26 =	simm.s32 @!p0 $0x400;
	[sflag:s20] =	ssyncset.done $0x0;
	s0 =	sshrl.u32 @!p0 s0, $0x3  }
0x11b: {  	s2 =	simm.s32 @!p0 $0x80;
	[sflag:s20] =	ssyncadd.s32 $0xFFFFF000;
	s0 =	sadd.s32 @!p0 s1, s0  }
0x11c: {  	[tilespmem:s28], [sflag:$0x1] =	stream.strided.gather @!p0 [hbm4b:s0+s2], $0xC380, s26, s2, $0x38;
	[tilespmem:$0x1E700] =	vst v63  }
0x11d: {  	_ =	swait.ge [sflag:s21], $0xC380  }
0x11e: {  	[sflag:s21] =	ssyncset.done $0x0  }
0x11f: {  	s26 =	simm.s32 $0x0;
	[sflag:s21] =	ssyncadd.s32 $0xFFFF3C80  }
0x120: {  	v0 =	vld [tilespmem:s26+$0x0];
	_ =	sdelay $0x5  }
0x121: {  	v1 =	vld [tilespmem:s26+$0x10];
	_ =	sdelay $0x1  }
0x122: {  	v0 =	vld.idx.msk [tilespmem:v0+s16+$0x0], $0xffff;
	_ =	sdelay $0x4  }
0x123: {  	[tilespmem:s26+$0x1C700] =	vst v0;
	v0 =	vld [tilespmem:s26+$0x20]  }
0x124: {  	v1 =	vld.idx.msk [tilespmem:v1+s16+$0x0], $0xffff;
	_ =	sdelay $0x4  }
0x125: {  	[tilespmem:s26+$0x1C710] =	vst v1;
	v1 =	vld [tilespmem:s26+$0x30];
	_ =	sdelay $0x1  }
0x126: {  	v0 =	vld.idx.msk [tilespmem:v0+s16+$0x0], $0xffff;
	_ =	sdelay $0x4  }
0x127: {  	[tilespmem:s26+$0x1C720] =	vst v0;
	v0 =	vld [tilespmem:s26+$0x40]  }
0x128: {  	v1 =	vld.idx.msk [tilespmem:v1+s16+$0x0], $0xffff;
	_ =	sdelay $0x4  }
0x129: {  	[tilespmem:s26+$0x1C730] =	vst v1;
	v1 =	vld [tilespmem:s26+$0x50];
	_ =	sdelay $0x1  }
0x12a: {  	v0 =	vld.idx.msk [tilespmem:v0+s16+$0x0], $0xffff;
	_ =	sdelay $0x4  }
0x12b: {  	v2 =	vld [tilespmem:s26+$0x60];
	[tilespmem:s26+$0x1C740] =	vst v0  }
0x12c: {  	v0 =	vld.idx.msk [tilespmem:v1+s16+$0x0], $0xffff;
	_ =	sdelay $0x4  }
0x12d: {  	[tilespmem:s26+$0x1C750] =	vst v0;
	v0 =	vld [tilespmem:s26+$0x70];
	_ =	sdelay $0x1  }
0x12e: {  	v1 =	vld.idx.msk [tilespmem:v2+s16+$0x0], $0xffff;
	_ =	sdelay $0x3  }
0x12f: {  	s28 =	simm.s32 $0x80;
	s0 =	simm.s32 $0x400  }
.LBB2_11:
0x130: {  	p0 =	sne.s32 s0, $0x3E00;
	v2 =	vld [tilespmem:s28+$0x0];
	[tilespmem:s26+$0x1C760] =	vst v1  }
0x131: {  	v0 =	vld.idx.msk [tilespmem:v0+s16+$0x0], $0xffff;
	_ =	sdelay $0x5  }
0x132: {  	v1 =	vld [tilespmem:s28+$0x10];
	[tilespmem:s26+$0x1C770] =	vst v0;
	s26 =	smov.u32 s28  }
0x133: {  	v0 =	vld.idx.msk [tilespmem:v2+s16+$0x0], $0xffff;
	_ =	sdelay $0x5  }
0x134: {  	[tilespmem:s26+$0x1C700] =	vst v0;
	v0 =	vld [tilespmem:s26+$0x20]  }
0x135: {  	v1 =	vld.idx.msk [tilespmem:v1+s16+$0x0], $0xffff;
	_ =	sdelay $0x5  }
0x136: {  	[tilespmem:s26+$0x1C710] =	vst v1;
	v1 =	vld [tilespmem:s26+$0x30]  }
0x137: {  	v0 =	vld.idx.msk [tilespmem:v0+s16+$0x0], $0xffff;
	_ =	sdelay $0x5  }
0x138: {  	[tilespmem:s26+$0x1C720] =	vst v0;
	v0 =	vld [tilespmem:s26+$0x40]  }
0x139: {  	v1 =	vld.idx.msk [tilespmem:v1+s16+$0x0], $0xffff;
	_ =	sdelay $0x5  }
0x13a: {  	[tilespmem:s26+$0x1C730] =	vst v1;
	v1 =	vld [tilespmem:s26+$0x50]  }
0x13b: {  	v0 =	vld.idx.msk [tilespmem:v0+s16+$0x0], $0xffff;
	_ =	sdelay $0x5  }
0x13c: {  	[tilespmem:s26+$0x1C740] =	vst v0;
	v2 =	vld [tilespmem:s26+$0x60]  }
0x13d: {  	v0 =	vld.idx.msk [tilespmem:v1+s16+$0x0], $0xffff;
	_ =	sdelay $0x5  }
0x13e: {  	[tilespmem:s26+$0x1C750] =	vst v0;
	v0 =	vld [tilespmem:s26+$0x70]  }
0x13f: {  	v1 =	vld.idx.msk [tilespmem:v2+s16+$0x0], $0xffff  }
.Ltmp4:
0x140: {  	(pc) =	sbr.rel @p0 .LBB2_11-.Ltmp4, $2  }
0x141: {  	_ =	sdelay $0x2  }
0x142: {  	s28 =	sshra.s32 s0, $0x2;
	s0 =	sadd.s32 $0x200, s0  }
0x143: {  	_ =	sdelay $0x1  }
0x144: {  	v2 =	vld [tilespmem:s28+$0x0]  }
0x145: {  	[tilespmem:s26+$0x1C760] =	vst v1  }
0x146: {  	v0 =	vld.idx.msk [tilespmem:v0+s16+$0x0], $0xffff;
	_ =	sdelay $0x3  }
0x147: {  	v1 =	vld [tilespmem:s28+$0x10]  }
0x148: {  	[tilespmem:s26+$0x1C770] =	vst v0  }
0x149: {  	v0 =	vld.idx.msk [tilespmem:v2+s16+$0x0], $0xffff;
	_ =	sdelay $0x4  }
0x14a: {  	[tilespmem:s28+$0x1C700] =	vst v0;
	v0 =	vld [tilespmem:s28+$0x20]  }
0x14b: {  	v1 =	vld.idx.msk [tilespmem:v1+s16+$0x0], $0xffff;
	_ =	sdelay $0x4  }
0x14c: {  	[tilespmem:s28+$0x1C710] =	vst v1;
	v1 =	vld [tilespmem:s28+$0x30];
	_ =	sdelay $0x1  }
0x14d: {  	v0 =	vld.idx.msk [tilespmem:v0+s16+$0x0], $0xffff;
	_ =	sdelay $0x4  }
0x14e: {  	[tilespmem:s28+$0x1C720] =	vst v0;
	v0 =	vld [tilespmem:s28+$0x40]  }
0x14f: {  	v1 =	vld.idx.msk [tilespmem:v1+s16+$0x0], $0xffff;
	_ =	sdelay $0x4  }
0x150: {  	[tilespmem:s28+$0x1C730] =	vst v1;
	v1 =	vld [tilespmem:s28+$0x50];
	_ =	sdelay $0x1  }
0x151: {  	v0 =	vld.idx.msk [tilespmem:v0+s16+$0x0], $0xffff;
	_ =	sdelay $0x4  }
0x152: {  	[tilespmem:s28+$0x1C740] =	vst v0;
	v0 =	vld [tilespmem:s28+$0x60]  }
0x153: {  	v1 =	vld.idx.msk [tilespmem:v1+s16+$0x0], $0xffff;
	_ =	sdelay $0x4  }
0x154: {  	[tilespmem:s28+$0x1C750] =	vst v1;
	v1 =	vld [tilespmem:s28+$0x70];
	_ =	sdelay $0x1  }
0x155: {  	v0 =	vld.idx.msk [tilespmem:v0+s16+$0x0], $0xffff;
	_ =	sdelay $0x4  }
0x156: {  	[tilespmem:s28+$0x1C760] =	vst v0  }
0x157: {  	v0 =	vld.idx.msk [tilespmem:v1+s16+$0x0], $0xffff;
	_ =	sdelay $0x1  }
0x158: {  	s0 =	sshll.u32 s24, $0x11  }
0x159: {  	s0 =	sor.u32 s25, s0  }
0x15a: {  	s24 =	sshrl.u32 s0, $0x3  }
0x15b: {  	s25 =	simm.s32 $0x0;
	s0 =	sadd.s32 s3, s24;
	[tilespmem:s28+$0x1C770] =	vst v0  }
0x15c: {  	[hbm4b:s0+s12] =	stream.strided.scatter [tilespmem:s18], [sflag:$0x3], $0x1000, s13, s12, $0x38;
	[tilespmem:$0x1E700] =	vst v63  }
0x15d: {  	v0 =	vld [tilespmem:s25+$0x1000];
	_ =	sdelay $0x5  }
0x15e: {  	v1 =	vld [tilespmem:s25+$0x1010];
	_ =	sdelay $0x1  }
0x15f: {  	v0 =	vld.idx.msk [tilespmem:v0+s16+$0x0], $0xffff;
	_ =	sdelay $0x4  }
0x160: {  	[tilespmem:s25+$0x1D700] =	vst v0;
	v0 =	vld [tilespmem:s25+$0x1020]  }
0x161: {  	v1 =	vld.idx.msk [tilespmem:v1+s16+$0x0], $0xffff;
	_ =	sdelay $0x4  }
0x162: {  	[tilespmem:s25+$0x1D710] =	vst v1;
	v1 =	vld [tilespmem:s25+$0x1030];
	_ =	sdelay $0x1  }
0x163: {  	v0 =	vld.idx.msk [tilespmem:v0+s16+$0x0], $0xffff;
	_ =	sdelay $0x4  }
0x164: {  	[tilespmem:s25+$0x1D720] =	vst v0;
	v0 =	vld [tilespmem:s25+$0x1040]  }
0x165: {  	v1 =	vld.idx.msk [tilespmem:v1+s16+$0x0], $0xffff;
	_ =	sdelay $0x4  }
0x166: {  	[tilespmem:s25+$0x1D730] =	vst v1;
	v1 =	vld [tilespmem:s25+$0x1050];
	_ =	sdelay $0x1  }
0x167: {  	v0 =	vld.idx.msk [tilespmem:v0+s16+$0x0], $0xffff;
	_ =	sdelay $0x4  }
0x168: {  	v2 =	vld [tilespmem:s25+$0x1060];
	[tilespmem:s25+$0x1D740] =	vst v0  }
0x169: {  	v0 =	vld.idx.msk [tilespmem:v1+s16+$0x0], $0xffff;
	_ =	sdelay $0x4  }
0x16a: {  	[tilespmem:s25+$0x1D750] =	vst v0;
	v0 =	vld [tilespmem:s25+$0x1070];
	_ =	sdelay $0x1  }
0x16b: {  	v1 =	vld.idx.msk [tilespmem:v2+s16+$0x0], $0xffff;
	_ =	sdelay $0x3  }
0x16c: {  	s2 =	simm.s32 $0x80;
	s0 =	simm.s32 $0x400  }
.LBB2_13:
0x16d: {  	p0 =	sne.s32 s0, $0x3E00;
	v2 =	vld [tilespmem:s2+$0x1000];
	[tilespmem:s25+$0x1D760] =	vst v1  }
0x16e: {  	v0 =	vld.idx.msk [tilespmem:v0+s16+$0x0], $0xffff;
	_ =	sdelay $0x5  }
0x16f: {  	v1 =	vld [tilespmem:s2+$0x1010];
	[tilespmem:s25+$0x1D770] =	vst v0;
	s25 =	smov.u32 s2  }
0x170: {  	v0 =	vld.idx.msk [tilespmem:v2+s16+$0x0], $0xffff;
	_ =	sdelay $0x5  }
0x171: {  	[tilespmem:s25+$0x1D700] =	vst v0;
	v0 =	vld [tilespmem:s25+$0x1020]  }
0x172: {  	v1 =	vld.idx.msk [tilespmem:v1+s16+$0x0], $0xffff;
	_ =	sdelay $0x5  }
0x173: {  	[tilespmem:s25+$0x1D710] =	vst v1;
	v1 =	vld [tilespmem:s25+$0x1030]  }
0x174: {  	v0 =	vld.idx.msk [tilespmem:v0+s16+$0x0], $0xffff;
	_ =	sdelay $0x5  }
0x175: {  	[tilespmem:s25+$0x1D720] =	vst v0;
	v0 =	vld [tilespmem:s25+$0x1040]  }
0x176: {  	v1 =	vld.idx.msk [tilespmem:v1+s16+$0x0], $0xffff;
	_ =	sdelay $0x5  }
0x177: {  	[tilespmem:s25+$0x1D730] =	vst v1;
	v1 =	vld [tilespmem:s25+$0x1050]  }
0x178: {  	v0 =	vld.idx.msk [tilespmem:v0+s16+$0x0], $0xffff;
	_ =	sdelay $0x5  }
0x179: {  	[tilespmem:s25+$0x1D740] =	vst v0;
	v2 =	vld [tilespmem:s25+$0x1060]  }
0x17a: {  	v0 =	vld.idx.msk [tilespmem:v1+s16+$0x0], $0xffff;
	_ =	sdelay $0x5  }
0x17b: {  	[tilespmem:s25+$0x1D750] =	vst v0;
	v0 =	vld [tilespmem:s25+$0x1070]  }
0x17c: {  	v1 =	vld.idx.msk [tilespmem:v2+s16+$0x0], $0xffff  }
.Ltmp5:
0x17d: {  	(pc) =	sbr.rel @p0 .LBB2_13-.Ltmp5, $2  }
0x17e: {  	_ =	sdelay $0x2  }
0x17f: {  	s2 =	sshra.s32 s0, $0x2;
	s0 =	sadd.s32 $0x200, s0  }
0x180: {  	_ =	sdelay $0x1  }
0x181: {  	v2 =	vld [tilespmem:s2+$0x1000]  }
0x182: {  	[tilespmem:s25+$0x1D760] =	vst v1  }
0x183: {  	v0 =	vld.idx.msk [tilespmem:v0+s16+$0x0], $0xffff;
	_ =	sdelay $0x3  }
0x184: {  	v1 =	vld [tilespmem:s2+$0x1010]  }
0x185: {  	[tilespmem:s25+$0x1D770] =	vst v0  }
0x186: {  	v0 =	vld.idx.msk [tilespmem:v2+s16+$0x0], $0xffff;
	_ =	sdelay $0x4  }
0x187: {  	[tilespmem:s2+$0x1D700] =	vst v0;
	v0 =	vld [tilespmem:s2+$0x1020]  }
0x188: {  	v1 =	vld.idx.msk [tilespmem:v1+s16+$0x0], $0xffff;
	_ =	sdelay $0x4  }
0x189: {  	[tilespmem:s2+$0x1D710] =	vst v1;
	v1 =	vld [tilespmem:s2+$0x1030];
	_ =	sdelay $0x1  }
0x18a: {  	v0 =	vld.idx.msk [tilespmem:v0+s16+$0x0], $0xffff;
	_ =	sdelay $0x4  }
0x18b: {  	[tilespmem:s2+$0x1D720] =	vst v0;
	v0 =	vld [tilespmem:s2+$0x1040]  }
0x18c: {  	v1 =	vld.idx.msk [tilespmem:v1+s16+$0x0], $0xffff;
	_ =	sdelay $0x4  }
0x18d: {  	[tilespmem:s2+$0x1D730] =	vst v1;
	v1 =	vld [tilespmem:s2+$0x1050];
	_ =	sdelay $0x1  }
0x18e: {  	v0 =	vld.idx.msk [tilespmem:v0+s16+$0x0], $0xffff;
	_ =	sdelay $0x4  }
0x18f: {  	[tilespmem:s2+$0x1D740] =	vst v0;
	v0 =	vld [tilespmem:s2+$0x1060]  }
0x190: {  	v1 =	vld.idx.msk [tilespmem:v1+s16+$0x0], $0xffff;
	_ =	sdelay $0x4  }
0x191: {  	[tilespmem:s2+$0x1D750] =	vst v1;
	v1 =	vld [tilespmem:s2+$0x1070];
	_ =	sdelay $0x1  }
0x192: {  	v0 =	vld.idx.msk [tilespmem:v0+s16+$0x0], $0xffff;
	_ =	sdelay $0x4  }
0x193: {  	[tilespmem:s2+$0x1D760] =	vst v0  }
0x194: {  	v0 =	vld.idx.msk [tilespmem:v1+s16+$0x0], $0xffff;
	_ =	sdelay $0x4  }
0x195: {  	s0 =	sadd.s32 s24, s8;
	[tilespmem:s2+$0x1D770] =	vst v0  }
0x196: {  	[hbm4b:s0+s12] =	stream.strided.scatter [tilespmem:s19], [sflag:$0x3], $0x1000, s13, s12, $0x38;
	[tilespmem:$0x1E700] =	vst v63  }
0x197: {  	_ =	swait.ge [sflag:s20], $0x1000  }
0x198: {  	[sflag:s20] =	ssyncset.done $0x0  }
0x199: {  	s25 =	simm.s32 $0x0;
	[sflag:s20] =	ssyncadd.s32 $0xFFFFF000  }
0x19a: {  	v0 =	vld [tilespmem:s25+$0x2000];
	_ =	sdelay $0x5  }
0x19b: {  	v1 =	vld [tilespmem:s25+$0x2010];
	_ =	sdelay $0x1  }
0x19c: {  	v0 =	vld.idx.msk [tilespmem:v0+s16+$0x0], $0xffff;
	_ =	sdelay $0x4  }
0x19d: {  	[tilespmem:s25+$0x1C700] =	vst v0;
	v0 =	vld [tilespmem:s25+$0x2020]  }
0x19e: {  	v1 =	vld.idx.msk [tilespmem:v1+s16+$0x0], $0xffff;
	_ =	sdelay $0x4  }
0x19f: {  	[tilespmem:s25+$0x1C710] =	vst v1;
	v1 =	vld [tilespmem:s25+$0x2030];
	_ =	sdelay $0x1  }
0x1a0: {  	v0 =	vld.idx.msk [tilespmem:v0+s16+$0x0], $0xffff;
	_ =	sdelay $0x4  }
0x1a1: {  	[tilespmem:s25+$0x1C720] =	vst v0;
	v0 =	vld [tilespmem:s25+$0x2040]  }
0x1a2: {  	v1 =	vld.idx.msk [tilespmem:v1+s16+$0x0], $0xffff;
	_ =	sdelay $0x4  }
0x1a3: {  	[tilespmem:s25+$0x1C730] =	vst v1;
	v1 =	vld [tilespmem:s25+$0x2050];
	_ =	sdelay $0x1  }
0x1a4: {  	v0 =	vld.idx.msk [tilespmem:v0+s16+$0x0], $0xffff;
	_ =	sdelay $0x4  }
0x1a5: {  	v2 =	vld [tilespmem:s25+$0x2060];
	[tilespmem:s25+$0x1C740] =	vst v0  }
0x1a6: {  	v0 =	vld.idx.msk [tilespmem:v1+s16+$0x0], $0xffff;
	_ =	sdelay $0x4  }
0x1a7: {  	[tilespmem:s25+$0x1C750] =	vst v0;
	v0 =	vld [tilespmem:s25+$0x2070];
	_ =	sdelay $0x1  }
0x1a8: {  	v1 =	vld.idx.msk [tilespmem:v2+s16+$0x0], $0xffff;
	_ =	sdelay $0x3  }
0x1a9: {  	s2 =	simm.s32 $0x80;
	s0 =	simm.s32 $0x400  }
.LBB2_15:
0x1aa: {  	p0 =	sne.s32 s0, $0x3E00;
	v2 =	vld [tilespmem:s2+$0x2000];
	[tilespmem:s25+$0x1C760] =	vst v1  }
0x1ab: {  	v0 =	vld.idx.msk [tilespmem:v0+s16+$0x0], $0xffff;
	_ =	sdelay $0x5  }
0x1ac: {  	v1 =	vld [tilespmem:s2+$0x2010];
	[tilespmem:s25+$0x1C770] =	vst v0;
	s25 =	smov.u32 s2  }
0x1ad: {  	v0 =	vld.idx.msk [tilespmem:v2+s16+$0x0], $0xffff;
	_ =	sdelay $0x5  }
0x1ae: {  	[tilespmem:s25+$0x1C700] =	vst v0;
	v0 =	vld [tilespmem:s25+$0x2020]  }
0x1af: {  	v1 =	vld.idx.msk [tilespmem:v1+s16+$0x0], $0xffff;
	_ =	sdelay $0x5  }
0x1b0: {  	[tilespmem:s25+$0x1C710] =	vst v1;
	v1 =	vld [tilespmem:s25+$0x2030]  }
0x1b1: {  	v0 =	vld.idx.msk [tilespmem:v0+s16+$0x0], $0xffff;
	_ =	sdelay $0x5  }
0x1b2: {  	[tilespmem:s25+$0x1C720] =	vst v0;
	v0 =	vld [tilespmem:s25+$0x2040]  }
0x1b3: {  	v1 =	vld.idx.msk [tilespmem:v1+s16+$0x0], $0xffff;
	_ =	sdelay $0x5  }
0x1b4: {  	[tilespmem:s25+$0x1C730] =	vst v1;
	v1 =	vld [tilespmem:s25+$0x2050]  }
0x1b5: {  	v0 =	vld.idx.msk [tilespmem:v0+s16+$0x0], $0xffff;
	_ =	sdelay $0x5  }
0x1b6: {  	[tilespmem:s25+$0x1C740] =	vst v0;
	v2 =	vld [tilespmem:s25+$0x2060]  }
0x1b7: {  	v0 =	vld.idx.msk [tilespmem:v1+s16+$0x0], $0xffff;
	_ =	sdelay $0x5  }
0x1b8: {  	[tilespmem:s25+$0x1C750] =	vst v0;
	v0 =	vld [tilespmem:s25+$0x2070]  }
0x1b9: {  	v1 =	vld.idx.msk [tilespmem:v2+s16+$0x0], $0xffff  }
.Ltmp6:
0x1ba: {  	(pc) =	sbr.rel @p0 .LBB2_15-.Ltmp6, $2  }
0x1bb: {  	_ =	sdelay $0x2  }
0x1bc: {  	s2 =	sshra.s32 s0, $0x2;
	s0 =	sadd.s32 $0x200, s0  }
0x1bd: {  	_ =	sdelay $0x1  }
0x1be: {  	v2 =	vld [tilespmem:s2+$0x2000]  }
0x1bf: {  	[tilespmem:s25+$0x1C760] =	vst v1  }
0x1c0: {  	v0 =	vld.idx.msk [tilespmem:v0+s16+$0x0], $0xffff;
	_ =	sdelay $0x3  }
0x1c1: {  	v1 =	vld [tilespmem:s2+$0x2010]  }
0x1c2: {  	[tilespmem:s25+$0x1C770] =	vst v0  }
0x1c3: {  	v0 =	vld.idx.msk [tilespmem:v2+s16+$0x0], $0xffff;
	_ =	sdelay $0x4  }
0x1c4: {  	[tilespmem:s2+$0x1C700] =	vst v0;
	v0 =	vld [tilespmem:s2+$0x2020]  }
0x1c5: {  	v1 =	vld.idx.msk [tilespmem:v1+s16+$0x0], $0xffff;
	_ =	sdelay $0x4  }
0x1c6: {  	[tilespmem:s2+$0x1C710] =	vst v1;
	v1 =	vld [tilespmem:s2+$0x2030];
	_ =	sdelay $0x1  }
0x1c7: {  	v0 =	vld.idx.msk [tilespmem:v0+s16+$0x0], $0xffff;
	_ =	sdelay $0x4  }
0x1c8: {  	[tilespmem:s2+$0x1C720] =	vst v0;
	v0 =	vld [tilespmem:s2+$0x2040]  }
0x1c9: {  	v1 =	vld.idx.msk [tilespmem:v1+s16+$0x0], $0xffff;
	_ =	sdelay $0x4  }
0x1ca: {  	[tilespmem:s2+$0x1C730] =	vst v1;
	v1 =	vld [tilespmem:s2+$0x2050];
	_ =	sdelay $0x1  }
0x1cb: {  	v0 =	vld.idx.msk [tilespmem:v0+s16+$0x0], $0xffff;
	_ =	sdelay $0x4  }
0x1cc: {  	[tilespmem:s2+$0x1C740] =	vst v0;
	v0 =	vld [tilespmem:s2+$0x2060]  }
0x1cd: {  	v1 =	vld.idx.msk [tilespmem:v1+s16+$0x0], $0xffff;
	_ =	sdelay $0x4  }
0x1ce: {  	[tilespmem:s2+$0x1C750] =	vst v1;
	v1 =	vld [tilespmem:s2+$0x2070];
	_ =	sdelay $0x1  }
0x1cf: {  	v0 =	vld.idx.msk [tilespmem:v0+s16+$0x0], $0xffff;
	_ =	sdelay $0x4  }
0x1d0: {  	[tilespmem:s2+$0x1C760] =	vst v0  }
0x1d1: {  	v0 =	vld.idx.msk [tilespmem:v1+s16+$0x0], $0xffff;
	_ =	sdelay $0x4  }
0x1d2: {  	s0 =	sadd.s32 s24, s9;
	[tilespmem:s2+$0x1C770] =	vst v0  }
0x1d3: {  	[hbm4b:s0+s12] =	stream.strided.scatter [tilespmem:s18], [sflag:$0x3], $0x1000, s13, s12, $0x38;
	[tilespmem:$0x1E700] =	vst v63  }
0x1d4: {  	_ =	swait.ge [sflag:s20], $0x1000  }
0x1d5: {  	[sflag:s20] =	ssyncset.done $0x0  }
0x1d6: {  	s25 =	simm.s32 $0x0;
	[sflag:s20] =	ssyncadd.s32 $0xFFFFF000  }
0x1d7: {  	v0 =	vld [tilespmem:s25+$0x3000];
	_ =	sdelay $0x5  }
0x1d8: {  	v1 =	vld [tilespmem:s25+$0x3010];
	_ =	sdelay $0x1  }
0x1d9: {  	v0 =	vld.idx.msk [tilespmem:v0+s16+$0x0], $0xffff;
	_ =	sdelay $0x4  }
0x1da: {  	[tilespmem:s25+$0x1D700] =	vst v0;
	v0 =	vld [tilespmem:s25+$0x3020]  }
0x1db: {  	v1 =	vld.idx.msk [tilespmem:v1+s16+$0x0], $0xffff;
	_ =	sdelay $0x4  }
0x1dc: {  	[tilespmem:s25+$0x1D710] =	vst v1;
	v1 =	vld [tilespmem:s25+$0x3030];
	_ =	sdelay $0x1  }
0x1dd: {  	v0 =	vld.idx.msk [tilespmem:v0+s16+$0x0], $0xffff;
	_ =	sdelay $0x4  }
0x1de: {  	[tilespmem:s25+$0x1D720] =	vst v0;
	v0 =	vld [tilespmem:s25+$0x3040]  }
0x1df: {  	v1 =	vld.idx.msk [tilespmem:v1+s16+$0x0], $0xffff;
	_ =	sdelay $0x4  }
0x1e0: {  	[tilespmem:s25+$0x1D730] =	vst v1;
	v1 =	vld [tilespmem:s25+$0x3050];
	_ =	sdelay $0x1  }
0x1e1: {  	v0 =	vld.idx.msk [tilespmem:v0+s16+$0x0], $0xffff;
	_ =	sdelay $0x4  }
0x1e2: {  	v2 =	vld [tilespmem:s25+$0x3060];
	[tilespmem:s25+$0x1D740] =	vst v0  }
0x1e3: {  	v0 =	vld.idx.msk [tilespmem:v1+s16+$0x0], $0xffff;
	_ =	sdelay $0x4  }
0x1e4: {  	[tilespmem:s25+$0x1D750] =	vst v0;
	v0 =	vld [tilespmem:s25+$0x3070];
	_ =	sdelay $0x1  }
0x1e5: {  	v1 =	vld.idx.msk [tilespmem:v2+s16+$0x0], $0xffff;
	_ =	sdelay $0x3  }
0x1e6: {  	s2 =	simm.s32 $0x80;
	s0 =	simm.s32 $0x400  }
.LBB2_17:
0x1e7: {  	p0 =	sne.s32 s0, $0x3E00;
	v2 =	vld [tilespmem:s2+$0x3000];
	[tilespmem:s25+$0x1D760] =	vst v1  }
0x1e8: {  	v0 =	vld.idx.msk [tilespmem:v0+s16+$0x0], $0xffff;
	_ =	sdelay $0x5  }
0x1e9: {  	v1 =	vld [tilespmem:s2+$0x3010];
	[tilespmem:s25+$0x1D770] =	vst v0;
	s25 =	smov.u32 s2  }
0x1ea: {  	v0 =	vld.idx.msk [tilespmem:v2+s16+$0x0], $0xffff;
	_ =	sdelay $0x5  }
0x1eb: {  	[tilespmem:s25+$0x1D700] =	vst v0;
	v0 =	vld [tilespmem:s25+$0x3020]  }
0x1ec: {  	v1 =	vld.idx.msk [tilespmem:v1+s16+$0x0], $0xffff;
	_ =	sdelay $0x5  }
0x1ed: {  	[tilespmem:s25+$0x1D710] =	vst v1;
	v1 =	vld [tilespmem:s25+$0x3030]  }
0x1ee: {  	v0 =	vld.idx.msk [tilespmem:v0+s16+$0x0], $0xffff;
	_ =	sdelay $0x5  }
0x1ef: {  	[tilespmem:s25+$0x1D720] =	vst v0;
	v0 =	vld [tilespmem:s25+$0x3040]  }
0x1f0: {  	v1 =	vld.idx.msk [tilespmem:v1+s16+$0x0], $0xffff;
	_ =	sdelay $0x5  }
0x1f1: {  	[tilespmem:s25+$0x1D730] =	vst v1;
	v1 =	vld [tilespmem:s25+$0x3050]  }
0x1f2: {  	v0 =	vld.idx.msk [tilespmem:v0+s16+$0x0], $0xffff;
	_ =	sdelay $0x5  }
0x1f3: {  	[tilespmem:s25+$0x1D740] =	vst v0;
	v2 =	vld [tilespmem:s25+$0x3060]  }
0x1f4: {  	v0 =	vld.idx.msk [tilespmem:v1+s16+$0x0], $0xffff;
	_ =	sdelay $0x5  }
0x1f5: {  	[tilespmem:s25+$0x1D750] =	vst v0;
	v0 =	vld [tilespmem:s25+$0x3070]  }
0x1f6: {  	v1 =	vld.idx.msk [tilespmem:v2+s16+$0x0], $0xffff  }
.Ltmp7:
0x1f7: {  	(pc) =	sbr.rel @p0 .LBB2_17-.Ltmp7, $2  }
0x1f8: {  	_ =	sdelay $0x2  }
0x1f9: {  	s2 =	sshra.s32 s0, $0x2;
	s0 =	sadd.s32 $0x200, s0  }
0x1fa: {  	_ =	sdelay $0x1  }
0x1fb: {  	v2 =	vld [tilespmem:s2+$0x3000]  }
0x1fc: {  	[tilespmem:s25+$0x1D760] =	vst v1  }
0x1fd: {  	v0 =	vld.idx.msk [tilespmem:v0+s16+$0x0], $0xffff;
	_ =	sdelay $0x3  }
0x1fe: {  	v1 =	vld [tilespmem:s2+$0x3010]  }
0x1ff: {  	[tilespmem:s25+$0x1D770] =	vst v0  }
0x200: {  	v0 =	vld.idx.msk [tilespmem:v2+s16+$0x0], $0xffff;
	_ =	sdelay $0x3  }
0x201: {  	v58 =	vld [tilespmem:s2+$0x3020]  }
0x202: {  	[tilespmem:s2+$0x1D700] =	vst v0  }
0x203: {  	v1 =	vld.idx.msk [tilespmem:v1+s16+$0x0], $0xffff;
	_ =	sdelay $0x3  }
0x204: {  	v59 =	vld [tilespmem:s2+$0x3030]  }
0x205: {  	[tilespmem:s2+$0x1D710] =	vst v1  }
0x206: {  	v0 =	vld.idx.msk [tilespmem:v58+s16+$0x0], $0xffff;
	_ =	sdelay $0x3  }
0x207: {  	v60 =	vld [tilespmem:s2+$0x3040]  }
0x208: {  	[tilespmem:s2+$0x1D720] =	vst v0  }
0x209: {  	v1 =	vld.idx.msk [tilespmem:v59+s16+$0x0], $0xffff;
	_ =	sdelay $0x3  }
0x20a: {  	v61 =	vld [tilespmem:s2+$0x3050]  }
0x20b: {  	[tilespmem:s2+$0x1D730] =	vst v1  }
0x20c: {  	v0 =	vld.idx.msk [tilespmem:v60+s16+$0x0], $0xffff;
	_ =	sdelay $0x3  }
0x20d: {  	v62 =	vld [tilespmem:s2+$0x3060]  }
0x20e: {  	[tilespmem:s2+$0x1D740] =	vst v0  }
0x20f: {  	v1 =	vld.idx.msk [tilespmem:v61+s16+$0x0], $0xffff;
	_ =	sdelay $0x3  }
0x210: {  	v63 =	vld [tilespmem:s2+$0x3070]  }
0x211: {  	[tilespmem:s2+$0x1D750] =	vst v1  }
0x212: {  	v0 =	vld.idx.msk [tilespmem:v62+s16+$0x0], $0xffff;
	_ =	sdelay $0x4  }
0x213: {  	[tilespmem:s2+$0x1D760] =	vst v0  }
0x214: {  	v0 =	vld.idx.msk [tilespmem:v63+s16+$0x0], $0xffff;
	_ =	sdelay $0x4  }
0x215: {  	s0 =	sadd.s32 s24, s10;
	s23 =	sadd.s32 $0x1, s23;
	[tilespmem:s2+$0x1D770] =	vst v0  }
0x216: {  	[hbm4b:s0+s12] =	stream.strided.scatter [tilespmem:s19], [sflag:$0x3], $0x1000, s13, s12, $0x38;
	[tilespmem:$0x1E700] =	vst v63  }
0x217: {  	p0 =	sne.s32 s23, $0x8;
	_ =	swait.ge [sflag:s20], $0x1000  }
.Ltmp8:
0x218: {  	[sflag:s20] =	ssyncset.done $0x0;
	(pc) =	sbr.rel @p0 .LBB2_2-.Ltmp8, $4  }
0x219: {  	[sflag:s20] =	ssyncadd.s32 $0xFFFFF000  }
0x21a: {  	_ =	swait.ge [sflag:s20], $0x1000  }
0x21b: {  	[sflag:s20] =	ssyncset.done $0x0  }
0x21c: {  	[sflag:s20] =	ssyncadd.s32 $0xFFFFF000  }
0x21d: {  	s22 =	sadd.s32 $0x1, s22  }
0x21e: {  	p0 =	sne.s32 s22, s11  }
.Ltmp9:
0x21f: {  	_ = 	snop;
	(pc) =	sbr.rel @p0 .LBB2_1-.Ltmp9, $1  }
0x220: {  	_ =	sdelay $0x3  }
0x221: {  	_ =	sfence.sel $0x180000  }
0x222: {  	[bflag:$0x0] =	sbarrier.arrive $0xFFFF  }
0x223: {  	_ =	strace $0x90000047  }
0x224: {  	s0 =	stileid.u32;
	[bflag:$0x2] =	sbarrier.arrive $0xFFFF  }
0x225: {  	p0 =	sne.s32 s0, $0x0;
	s0 =	rddreg [dreg:$0x3]  }
0x226: {  	s0 =	sadd.s32 @!p0 $0x100000, s0  }
0x227: {  	[sflag:s0] =	ssyncadd.tile.s32 @!p0 $0x1;
	_ =	shalt  }
.Lfunc_end2:
_tile_overlayer_lowered:
.L_overlay_start_2:
0x228: {  	(tag) =	ssettag $0x2  }
0x229: {  	s0 =	rddreg [dreg:$0x0];
	s2 =	stileid.u32  }
0x22a: {  	s1 =	rddreg [dreg:$0x1];
	p0 =	sne.s32 s2, $0x0  }
0x22b: {  	s3 =	rddreg [dreg:$0x2];
	[bflag:$0x3] =	sbarrier.arrive $0xFFFF;
	s2 =	simm.s32 @!p0 $0x1C04  }
0x22c: {  	[timem:s3], [sflag:s2] =	dma.local @!p0 [hbm:s0], s1  }
0x22d: {  	s0 =	simm.s32 @!p0 $0x4  }
0x22e: {  	_ =	swait.ge @!p0 [sflag:s0], s1  }
0x22f: {  	s1 =	ssub.s32 @!p0 $0x0, s1;
	[sflag:s0] =	ssyncset.done @!p0 $0x0  }
0x230: {  	[sflag:s0] =	ssyncadd.s32 @!p0 s1  }
0x231: {  	[bflag:$0x3] =	sbarrier.arrive $0xFFFF  }
0x232: {  	_ =	shalt  }

</sc_bundles>
